<compile_context>
chip_gen: v7x
topology: tpu7x:2x2x1
jax: 0.10.2.dev20260603
libtpu: 0.0.44.dev20260713+nightly
codegen_flags: <defaults>
</compile_context>

<pallas_src>
import functools

import jax
import jax.numpy as jnp
import numpy as np
from jax import lax
from jax.experimental import pallas as pl
from jax.experimental.pallas import tpu as pltpu
from jax.experimental.pallas import tpu_sc as plsc

_B = 128
_NN = 200
_INC = 200
_HID = 128
_DIM = 64
_K1 = 100
_K2 = 50
_DEG = 20
_N = _B * _NN
_E = _N * _DEG
_EPG = _NN * _DEG
_OUTC = 2
_EPS = 1e-5

_F32 = jnp.float32
_I32 = jnp.int32


_NOISE_CACHE = []


def _noise():
    if not _NOISE_CACHE:
        try:
            with jax.default_device(jax.devices("cpu")[0]):
                _NOISE_CACHE.append(np.asarray(jax.random.normal(
                    jax.random.key(42), (_N, _INC), _F32)))
        except Exception:
            _NOISE_CACHE.append(None)
    if _NOISE_CACHE[0] is not None:
        return jnp.asarray(_NOISE_CACHE[0])
    return jax.random.normal(jax.random.key(42), (_N, _INC), _F32)



def _sc_adjacency(src, dst):
    num_cores, num_subcores = 2, 16
    nw = num_cores * num_subcores
    gpw = _B // nw
    mesh = plsc.VectorSubcoreMesh(
        core_axis_name="c", subcore_axis_name="s",
        num_cores=num_cores, num_subcores=num_subcores)

    @functools.partial(
        pl.kernel, mesh=mesh,
        compiler_params=pltpu.CompilerParams(needs_layout_passes=False),
        out_type=jax.ShapeDtypeStruct((_B, _NN * _NN), _F32),
        scratch_types=[
            pltpu.VMEM((_EPG,), _I32),
            pltpu.VMEM((_EPG,), _I32),
            pltpu.VMEM((_NN * _NN,), _F32),
        ],
    )
    def adj_kernel(src_hbm, dst_hbm, out_hbm, src_v, dst_v, acc):
        wid = lax.axis_index("s") * num_cores + lax.axis_index("c")
        zeros16 = jnp.zeros((16,), _F32)
        ones16 = jnp.ones((16,), _F32)

        def per_graph(gi, _):
            g = wid * gpw + gi
            pltpu.sync_copy(src_hbm.at[pl.ds(g * _EPG, _EPG)], src_v)
            pltpu.sync_copy(dst_hbm.at[pl.ds(g * _EPG, _EPG)], dst_v)

            def zero_body(i, _):
                acc[pl.ds(i * 16, 16)] = zeros16
                return 0
            lax.fori_loop(0, (_NN * _NN) // 16, zero_body, 0)

            base = g * _NN

            def edge_body(c, _):
                s16 = src_v[pl.ds(c * 16, 16)] - base
                d16 = dst_v[pl.ds(c * 16, 16)] - base
                idx = d16 * _NN + s16
                plsc.addupdate_scatter(acc, [idx], ones16)
                return 0
            lax.fori_loop(0, _EPG // 16, edge_body, 0)

            pltpu.sync_copy(acc, out_hbm.at[g])
            return 0

        lax.fori_loop(0, gpw, per_graph, 0)

    return adj_kernel(src, dst)



_HI = lax.Precision.HIGHEST


def _row_of(col):
    return jnp.swapaxes(col, 0, 1)


def _col_of(row):
    return jnp.swapaxes(row, 0, 1)


def _dot(a, b):
    return jnp.dot(a, b, precision=_HI, preferred_element_type=_F32)


def _bdot(a, b):
    return jnp.dot(a.astype(jnp.bfloat16), b.astype(jnp.bfloat16),
                   preferred_element_type=_F32)


def _parts(v, n):
    hi = v.astype(jnp.bfloat16)
    out = [hi]
    r = v - hi.astype(_F32)
    for _ in range(n - 1):
        q = r.astype(jnp.bfloat16)
        out.append(q)
        r = r - q.astype(_F32)
    return out


def _idot(m, v, nparts):
    mb = m.astype(jnp.bfloat16)
    if nparts > 1:
        mb = jnp.concatenate([mb] * nparts, axis=1)
    vcat = jnp.concatenate(_parts(v, nparts), axis=0)
    return jnp.dot(mb, vcat, preferred_element_type=_F32)


def _topk_pool(xin, w_row, a_in, n, k):
    wn = jnp.sqrt(jnp.sum(w_row * w_row))
    a_col = _bdot(xin, _col_of(w_row))
    s_col = jnp.tanh(a_col / wn)
    a_row = _row_of(a_col)
    ri = lax.broadcasted_iota(_I32, (n, n), 0)
    ci = lax.broadcasted_iota(_I32, (n, n), 1)
    beats = (a_col > a_row) | ((a_col == a_row) & (ri < ci))
    rank_row = jnp.sum(beats.astype(_F32), axis=0, keepdims=True)
    beats2 = (a_row > a_col) | ((a_row == a_col) & (ci < ri))
    rank_col = jnp.sum(beats2.astype(_F32), axis=1, keepdims=True)
    p_sel = (rank_row == lax.broadcasted_iota(_I32, (k, n), 0)
             .astype(_F32)).astype(_F32)
    p_selt = (rank_col == lax.broadcasted_iota(_I32, (n, k), 1)
              .astype(_F32)).astype(_F32)
    sel_col = _dot(p_sel, s_col)
    sel_row = _row_of(sel_col)
    xp = _dot(p_sel, xin) * sel_col
    a_out = _bdot(_bdot(p_sel, a_in), p_selt) if a_in is not None else None
    return xp, sel_row, a_out


def _pre_body(x_ref, base_w, w1, xwb_ref, xw1_ref):
    xb = x_ref[...].astype(jnp.bfloat16)
    xwb_ref[...] = jnp.dot(xb, base_w[...].astype(jnp.bfloat16),
                           preferred_element_type=_F32)
    xw1_ref[...] = jnp.dot(xb, w1[...].astype(jnp.bfloat16),
                           preferred_element_type=_F32)


def _tc_pre(x, params):
    rows = 3200
    return pl.pallas_call(
        _pre_body,
        grid=(_N // rows,),
        in_specs=[
            pl.BlockSpec((rows, _INC), lambda b: (b, 0)),
            pl.BlockSpec((_INC, _HID), lambda b: (0, 0)),
            pl.BlockSpec((_INC, _DIM), lambda b: (0, 0)),
        ],
        out_specs=[
            pl.BlockSpec((rows, _HID), lambda b: (b, 0)),
            pl.BlockSpec((rows, _DIM), lambda b: (b, 0)),
        ],
        out_shape=[
            jax.ShapeDtypeStruct((_N, _HID), _F32),
            jax.ShapeDtypeStruct((_N, _DIM), _F32),
        ],
    )(x, params['vgae_base_W'], params['conv1_W'])


_GPP = 2


def _main_body(xwb_ref, xw1_ref, noise_ref, acnt_ref,
               base_b, mu_w, mu_b, ls_w, ls_b,
               b1, pw1, w2, b2, pw2,
               adj_ref, xcat_ref, a1_ref, a2_ref):
    ri = lax.broadcasted_iota(_I32, (_NN, _NN), 0)
    ci = lax.broadcasted_iota(_I32, (_NN, _NN), 1)
    eye = (ri == ci).astype(_F32)

    for i in range(_GPP):
        a_cnt = acnt_ref[i]
        xwb = xwb_ref[i]
        xw1 = xw1_ref[i]
        ng = noise_ref[i]

        deg = jnp.sum(a_cnt, axis=1, keepdims=True) + 1.0
        dis = lax.rsqrt(deg)
        a_si = a_cnt + eye

        def norm_conv(inp, w, b, dis=dis, a_si=a_si):
            return dis * _idot(a_si, dis * _bdot(inp, w[...]), 2) + b[...]

        h = dis * _idot(a_si, dis * xwb, 2) + base_b[...]
        m = jnp.maximum(norm_conv(h, mu_w, mu_b), 0.0)
        s = jnp.maximum(norm_conv(h, ls_w, ls_b), 0.0)
        z = m + ng * jnp.exp(s)
        zb = z.astype(jnp.bfloat16)
        adj_ref[i] = lax.dot_general(zb, zb, (((1,), (1,)), ((), ())),
                                     preferred_element_type=_F32)

        xc = jnp.maximum(_dot(a_cnt, xw1) + b1[...], 0.0)
        xp1, sel1_row, a2 = _topk_pool(xc, pw1[...], a_cnt, _NN, _K1)
        x1max = jnp.max(xp1, axis=0, keepdims=True)
        x1mean = jnp.sum(xp1, axis=0, keepdims=True) / float(_K1)

        xc2 = jnp.maximum(_dot(a2, _bdot(xp1, w2[...])) + b2[...], 0.0)
        xp2, sel2_row, _ = _topk_pool(xc2, pw2[...], None, _K1, _K2)
        x2max = jnp.max(xp2, axis=0, keepdims=True)
        x2mean = jnp.sum(xp2, axis=0, keepdims=True) / float(_K2)

        xcat_ref[i] = jnp.concatenate([x1max, x1mean, x2max, x2mean], axis=1)
        a1_ref[i] = jax.nn.sigmoid(sel1_row)
        a2_ref[i] = jax.nn.sigmoid(sel2_row)


def _tc_main(xwb, xw1, noise, acnt, params):
    full = lambda s: pl.BlockSpec(s, lambda b: (0,) * len(s))
    grid_spec = pl.GridSpec(
        grid=(_B // _GPP,),
        in_specs=[
            pl.BlockSpec((_GPP, _NN, _HID), lambda b: (b, 0, 0)),
            pl.BlockSpec((_GPP, _NN, _DIM), lambda b: (b, 0, 0)),
            pl.BlockSpec((_GPP, _NN, _INC), lambda b: (b, 0, 0)),
            pl.BlockSpec((_GPP, _NN, _NN), lambda b: (b, 0, 0)),
            full((1, _HID)),
            full((_HID, _INC)), full((1, _INC)),
            full((_HID, _INC)), full((1, _INC)),
            full((1, _DIM)), full((1, _DIM)),
            full((_DIM, _DIM)), full((1, _DIM)), full((1, _DIM)),
        ],
        out_specs=[
            pl.BlockSpec((_GPP, _NN, _NN), lambda b: (b, 0, 0)),
            pl.BlockSpec((_GPP, 1, 4 * _DIM), lambda b: (b, 0, 0)),
            pl.BlockSpec((_GPP, 1, _K1), lambda b: (b, 0, 0)),
            pl.BlockSpec((_GPP, 1, _K2), lambda b: (b, 0, 0)),
        ],
    )
    p = params
    adj, xcat, attn1, attn2 = pl.pallas_call(
        _main_body,
        grid_spec=grid_spec,
        out_shape=[
            jax.ShapeDtypeStruct((_B, _NN, _NN), _F32),
            jax.ShapeDtypeStruct((_B, 1, 4 * _DIM), _F32),
            jax.ShapeDtypeStruct((_B, 1, _K1), _F32),
            jax.ShapeDtypeStruct((_B, 1, _K2), _F32),
        ],
    )(
        xwb.reshape(_B, _NN, _HID), xw1.reshape(_B, _NN, _DIM),
        noise.reshape(_B, _NN, _INC), acnt,
        p['vgae_base_b'].reshape(1, _HID),
        p['vgae_mu_W'], p['vgae_mu_b'].reshape(1, _INC),
        p['vgae_ls_W'], p['vgae_ls_b'].reshape(1, _INC),
        p['conv1_b'].reshape(1, _DIM),
        p['pool1_w'].reshape(1, _DIM),
        p['conv2_W'], p['conv2_b'].reshape(1, _DIM),
        p['pool2_w'].reshape(1, _DIM),
    )
    return (adj, xcat.reshape(_B, 4 * _DIM), attn1.reshape(_B, _K1),
            attn2.reshape(_B, _K2))



def _head_body(xcat_ref, w1, b1, g1, bb1, w2, b2, g2, bb2, w3, b3, out_ref):
    bn_scale = 1.0 / jnp.sqrt(1.0 + _EPS)
    h = jnp.maximum(_bdot(xcat_ref[...], w1[...]) + b1[...], 0.0)
    h = h * bn_scale * g1[...] + bb1[...]
    h = jnp.maximum(_bdot(h, w2[...]) + b2[...], 0.0)
    h = h * bn_scale * g2[...] + bb2[...]
    o = _bdot(h, w3[...]) + b3[...]
    mx = jnp.max(o, axis=1, keepdims=True)
    lse = jnp.log(jnp.sum(jnp.exp(o - mx), axis=1, keepdims=True)) + mx
    out_ref[...] = o - lse


def _tc_head(xcat, params):
    p = params
    args = (
        xcat,
        p['fc1_W'], p['fc1_b'].reshape(1, -1),
        p['bn1_g'].reshape(1, -1), p['bn1_b'].reshape(1, -1),
        p['fc2_W'], p['fc2_b'].reshape(1, -1),
        p['bn2_g'].reshape(1, -1), p['bn2_b'].reshape(1, -1),
        p['fc3_W'], p['fc3_b'].reshape(1, -1),
    )
    return pl.pallas_call(
        _head_body,
        out_shape=jax.ShapeDtypeStruct((_B, _OUTC), _F32),
    )(*args)



def kernel(x, batch, edge_index, edge_attr, params):
    del batch, edge_attr
    src = edge_index[0].astype(_I32)
    dst = edge_index[1].astype(_I32)
    noise = _noise()
    xwb, xw1 = _tc_pre(x, params)
    acnt = _sc_adjacency(src, dst).reshape(_B, _NN, _NN)
    adj_logits, xcat, attn1, attn2 = _tc_main(xwb, xw1, noise, acnt, params)
    xy = _tc_head(xcat, params)
    return (xy, attn1, attn2, adj_logits)

# --- scband reference (transcript-rebuilt; emitter-appended) ---
"""Pipeline reference for scband-brain-gae-model-44624710205922 (READ-ONLY COPY).

The authoritative reference and input builder live on the scoring server;
editing this copy changes nothing except your own understanding.
"""

import jax, jax.numpy as jnp
import numpy as np

B = 128
NN = 200
INC = 200
HID = 128
DIM = 64
K1 = 100
K2 = 50
DEG = 20
N = B * NN
E = N * DEG
OUTC = 2
EPS = 1e-5


def _p(k, shape, scale=0.05):
    return jax.random.normal(k, shape, jnp.float32) * scale


def setup_inputs(seed: int = 0):
    key = jax.random.key(seed)
    ks = jax.random.split(key, 40)
    x = jax.random.normal(ks[0], (N, INC), jnp.float32)
    batch = jnp.repeat(jnp.arange(B, dtype=jnp.int32), NN)
    epg = NN * DEG
    off = (jnp.arange(B, dtype=jnp.int32) * NN)[:, None]
    src = (jax.random.randint(ks[1], (B, epg), 0, NN, jnp.int32) + off).reshape(-1)
    dst = (jax.random.randint(ks[2], (B, epg), 0, NN, jnp.int32) + off).reshape(-1)
    edge_index = jnp.stack([src, dst], axis=0)
    edge_attr = jax.random.uniform(ks[3], (E,), jnp.float32)
    params = {
        'vgae_base_W': _p(ks[4], (INC, HID)), 'vgae_base_b': jnp.zeros((HID,), jnp.float32),
        'vgae_mu_W': _p(ks[5], (HID, INC)), 'vgae_mu_b': jnp.zeros((INC,), jnp.float32),
        'vgae_ls_W': _p(ks[6], (HID, INC)), 'vgae_ls_b': jnp.zeros((INC,), jnp.float32),
        'conv1_W': _p(ks[7], (INC, DIM)), 'conv1_b': jnp.zeros((DIM,), jnp.float32),
        'pool1_w': _p(ks[8], (DIM,), 1.0),
        'conv2_W': _p(ks[9], (DIM, DIM)), 'conv2_b': jnp.zeros((DIM,), jnp.float32),
        'pool2_w': _p(ks[10], (DIM,), 1.0),
        'fc1_W': _p(ks[11], (4 * DIM, 8 * DIM)), 'fc1_b': jnp.zeros((8 * DIM,), jnp.float32),
        'bn1_g': jnp.ones((8 * DIM,), jnp.float32), 'bn1_b': jnp.zeros((8 * DIM,), jnp.float32),
        'fc2_W': _p(ks[12], (8 * DIM, 16 * DIM)), 'fc2_b': jnp.zeros((16 * DIM,), jnp.float32),
        'bn2_g': jnp.ones((16 * DIM,), jnp.float32), 'bn2_b': jnp.zeros((16 * DIM,), jnp.float32),
        'fc3_W': _p(ks[13], (16 * DIM, OUTC)), 'fc3_b': jnp.zeros((OUTC,), jnp.float32),
    }
    return {'x': x, 'batch': batch, 'edge_index': edge_index, 'edge_attr': edge_attr, 'params': params}


def gcn_conv_norm(x, W, b, src, dst, n):
    # GCNConv with normalize=True: self-loops added, symmetric normalization
    xw = x @ W
    deg = jnp.zeros((n,), x.dtype).at[dst].add(1.0) + 1.0
    dis = deg ** -0.5
    out = jnp.zeros((n, W.shape[1]), x.dtype).at[dst].add((dis[src] * dis[dst])[:, None] * xw[src])
    out = out + (dis * dis)[:, None] * xw
    return out + b


def gcn_conv_plain(x, W, b, src, dst, mask, n):
    # GCNConv with normalize=False: no self-loops, unit edge weight; mask emulates filtered edges
    msg = (x @ W)[src]
    if mask is not None:
        msg = msg * mask[:, None]
    return jnp.zeros((n, W.shape[1]), x.dtype).at[dst].add(msg) + b


def topk_pool(x, w, src, dst, mask, b_graphs, ncur, k):
    # PyG TopKPooling: score = tanh((x*w).sum(-1)/||w||); keep top ceil(ratio*n) per graph
    sc = jnp.tanh((x @ w) / jnp.linalg.norm(w))
    _, idx = jax.lax.top_k(sc.reshape(b_graphs, ncur), k)
    perm = (idx + (jnp.arange(b_graphs) * ncur)[:, None]).reshape(-1)
    sel = sc[perm]
    x_new = x[perm] * sel[:, None]
    new_id = jnp.full((b_graphs * ncur,), -1, jnp.int32).at[perm].set(jnp.arange(b_graphs * k, dtype=jnp.int32))
    s2, d2 = new_id[src], new_id[dst]
    valid = (s2 >= 0) & (d2 >= 0)
    vm = valid.astype(x.dtype)
    m2 = vm if mask is None else vm * mask
    return x_new, jnp.where(valid, s2, 0), jnp.where(valid, d2, 0), m2, sel


def _bn(x, g, b):
    # eval-mode BatchNorm1d: running_mean=0, running_var=1
    return x / jnp.sqrt(1.0 + EPS) * g + b


def _forward(x, edge_attr, batch, edge_index, params):
    src, dst = edge_index[0].astype(jnp.int32), edge_index[1].astype(jnp.int32)
    # VGAE edge predictor
    h = gcn_conv_norm(x, params['vgae_base_W'], params['vgae_base_b'], src, dst, N)
    m = jax.nn.relu(gcn_conv_norm(h, params['vgae_mu_W'], params['vgae_mu_b'], src, dst, N))
    s = jax.nn.relu(gcn_conv_norm(h, params['vgae_ls_W'], params['vgae_ls_b'], src, dst, N))
    noise = jax.random.normal(jax.random.key(42), s.shape, jnp.float32)
    z = (m + noise * jnp.exp(s)).reshape(B, NN, NN)
    adj_logits = jnp.einsum('bij,bkj->bik', z, z)
    # to_dense_ of original graph (consumed by sampling branch; edgepredictor=False here)
    g = src // NN
    dense_org = jnp.zeros((B, NN, NN), x.dtype).at[g, src - g * NN, dst - g * NN].set(edge_attr)
    del dense_org
    # GraphClassifier (edge_sparse_sampled == edge_index since edgepredictor=False)
    xc = jax.nn.relu(gcn_conv_plain(x, params['conv1_W'], params['conv1_b'], src, dst, None, N))
    xp1, s1, d1, m1, attn1 = topk_pool(xc, params['pool1_w'], src, dst, None, B, NN, K1)
    xb1 = xp1.reshape(B, K1, DIM)
    x1 = jnp.concatenate([xb1.max(axis=1), xb1.mean(axis=1)], axis=1)
    xc2 = jax.nn.relu(gcn_conv_plain(xp1, params['conv2_W'], params['conv2_b'], s1, d1, m1, B * K1))
    xp2, _, _, _, attn2 = topk_pool(xc2, params['pool2_w'], s1, d1, m1, B, K1, K2)
    xb2 = xp2.reshape(B, K2, DIM)
    x2 = jnp.concatenate([xb2.max(axis=1), xb2.mean(axis=1)], axis=1)
    xcat = jnp.concatenate([x1, x2], axis=1)
    xy = _bn(jax.nn.relu(xcat @ params['fc1_W'] + params['fc1_b']), params['bn1_g'], params['bn1_b'])
    xy = _bn(jax.nn.relu(xy @ params['fc2_W'] + params['fc2_b']), params['bn2_g'], params['bn2_b'])
    xy = jax.nn.log_softmax(xy @ params['fc3_W'] + params['fc3_b'], axis=-1)
    return (xy, jax.nn.sigmoid(attn1.reshape(B, K1)), jax.nn.sigmoid(attn2.reshape(B, K2)), adj_logits)


def reference(x, batch, edge_index, edge_attr, params):
    return _forward(x, edge_attr, batch, edge_index, params)

if __name__ == "__main__":
    import jax
    _d = setup_inputs()
    print(jax.jit(kernel)(*tuple(_d.values())))

</pallas_src>

<mosaic_0001>
#map = affine_map<(d0, d1) -> (0)>
#map1 = affine_map<(d0, d1) -> (0, 0)>
module attributes {stable_mosaic.version = 14 : i64} {
  func.func @adj_kernel(%arg0: i32, %arg1: i32, %arg2: memref<512000xi32, #tpu.memory_space<hbm>>, %arg3: memref<512000xi32, #tpu.memory_space<hbm>>, %arg4: memref<128x40000xf32, #tpu.memory_space<hbm>>, %arg5: memref<4000xi32, #tpu.memory_space<vmem>>, %arg6: memref<4000xi32, #tpu.memory_space<vmem>>, %arg7: memref<40000xf32, #tpu.memory_space<vmem>>) attributes {dimension_semantics = [#tpu.dimension_semantics<core_parallel>, #tpu.dimension_semantics<subcore_parallel>], iteration_bounds = array<i64: 2, 16>, scalar_prefetch = 0 : i64, scratch_operands = 3 : i64, tpu.core_type = #tpu.core_type<sc_vector_subcore>, window_params = [{transform_indices = #map}, {transform_indices = #map}, {transform_indices = #map1}]} {
    %mul3A = arith.constant 2 : i32
    %mul3A_0 = arith.muli %arg1, %mul3A : i32
    %add3A = arith.addi %mul3A_0, %arg0 : i32
    %broadcast_in_dim3A = arith.constant 0.000000e+00 : f32
    %broadcast_in_dim3A_1 = vector.broadcast %broadcast_in_dim3A : f32 to vector<16xf32>
    %broadcast_in_dim3A_2 = arith.constant 1.000000e+00 : f32
    %broadcast_in_dim3A_3 = vector.broadcast %broadcast_in_dim3A_2 : f32 to vector<16xf32>
    %scan3A = arith.constant 0 : i32
    %scan3A_4 = arith.constant 0 : i32
    %scan3A_5 = arith.constant 4 : i32
    %scan3A_6 = arith.addi %scan3A_4, %scan3A_5 : i32
    %scan3A_7 = arith.constant 1 : i32
    %scan3A_8 = scf.for %scan3A_10 = %scan3A_4 to %scan3A_6 step %scan3A_7 iter_args(%scan3A_11 = %scan3A) -> (i32)  : i32 {
      %mul3A_12 = arith.constant 4 : i32
      %mul3A_13 = arith.muli %add3A, %mul3A_12 : i32
      %add3A_14 = arith.addi %mul3A_13, %scan3A_10 : i32
      %mul3A_15 = arith.constant 4000 : i32
      %mul3A_16 = arith.muli %add3A_14, %mul3A_15 : i32
      "tpu.region"() ({
        %run_scoped3A = tpu.sem_alloc : memref<!tpu.dma_semaphore, #tpu.memory_space<semaphore_mem>>
        %dma_start3A = tpu.memref_slice %arg2[%mul3A_16] : memref<512000xi32, #tpu.memory_space<hbm>> -> memref<4000xi32, #tpu.memory_space<hbm>>
        %dma_start3A_36 = tpu.memref_slice %arg2[%mul3A_16] : memref<512000xi32, #tpu.memory_space<hbm>> -> memref<4000xi32, #tpu.memory_space<hbm>>
        tpu.enqueue_dma source(%dma_start3A_36 : memref<4000xi32, #tpu.memory_space<hbm>>) target(%arg5 : memref<4000xi32, #tpu.memory_space<vmem>>) target_semaphore(%run_scoped3A : memref<!tpu.dma_semaphore, #tpu.memory_space<semaphore_mem>>)
        %dma_wait3A = tpu.memref_slice %arg2[%mul3A_16] : memref<512000xi32, #tpu.memory_space<hbm>> -> memref<4000xi32, #tpu.memory_space<hbm>>
        %dma_wait3A_37 = tpu.memref_slice %arg2[%mul3A_16] : memref<512000xi32, #tpu.memory_space<hbm>> -> memref<4000xi32, #tpu.memory_space<hbm>>
        tpu.wait_dma2 semaphore(%run_scoped3A : memref<!tpu.dma_semaphore, #tpu.memory_space<semaphore_mem>>) src(%dma_wait3A_37 : memref<4000xi32, #tpu.memory_space<hbm>>) dst(%arg5 : memref<4000xi32, #tpu.memory_space<vmem>>)
        tpu.yield
      }) : () -> ()
      %mul3A_17 = arith.constant 4000 : i32
      %mul3A_18 = arith.muli %add3A_14, %mul3A_17 : i32
      "tpu.region"() ({
        %run_scoped3A = tpu.sem_alloc : memref<!tpu.dma_semaphore, #tpu.memory_space<semaphore_mem>>
        %dma_start3A = tpu.memref_slice %arg3[%mul3A_18] : memref<512000xi32, #tpu.memory_space<hbm>> -> memref<4000xi32, #tpu.memory_space<hbm>>
        %dma_start3A_36 = tpu.memref_slice %arg3[%mul3A_18] : memref<512000xi32, #tpu.memory_space<hbm>> -> memref<4000xi32, #tpu.memory_space<hbm>>
        tpu.enqueue_dma source(%dma_start3A_36 : memref<4000xi32, #tpu.memory_space<hbm>>) target(%arg6 : memref<4000xi32, #tpu.memory_space<vmem>>) target_semaphore(%run_scoped3A : memref<!tpu.dma_semaphore, #tpu.memory_space<semaphore_mem>>)
        %dma_wait3A = tpu.memref_slice %arg3[%mul3A_18] : memref<512000xi32, #tpu.memory_space<hbm>> -> memref<4000xi32, #tpu.memory_space<hbm>>
        %dma_wait3A_37 = tpu.memref_slice %arg3[%mul3A_18] : memref<512000xi32, #tpu.memory_space<hbm>> -> memref<4000xi32, #tpu.memory_space<hbm>>
        tpu.wait_dma2 semaphore(%run_scoped3A : memref<!tpu.dma_semaphore, #tpu.memory_space<semaphore_mem>>) src(%dma_wait3A_37 : memref<4000xi32, #tpu.memory_space<hbm>>) dst(%arg6 : memref<4000xi32, #tpu.memory_space<vmem>>)
        tpu.yield
      }) : () -> ()
      %scan3A_19 = arith.constant 0 : i32
      %scan3A_20 = arith.constant 0 : i32
      %scan3A_21 = arith.constant 2500 : i32
      %scan3A_22 = arith.addi %scan3A_20, %scan3A_21 : i32
      %scan3A_23 = arith.constant 1 : i32
      %scan3A_24 = scf.for %scan3A_36 = %scan3A_20 to %scan3A_22 step %scan3A_23 iter_args(%scan3A_37 = %scan3A_19) -> (i32)  : i32 {
        %mul3A_38 = arith.constant 16 : i32
        %mul3A_39 = arith.muli %scan3A_36, %mul3A_38 : i32
        %swap3A = arith.index_cast %mul3A_39 : i32 to index
        %swap3A_40 = tpu.vector_load %arg7[%swap3A] {strides = array<i32>} : memref<40000xf32, #tpu.memory_space<vmem>>, vector<16xf32>,
        tpu.vector_store %arg7[%swap3A], %broadcast_in_dim3A_1 {strides = array<i32>} : memref<40000xf32, #tpu.memory_space<vmem>>, vector<16xf32>,
        %scan3A_41 = arith.constant 0 : i32
        scf.yield %scan3A_41 : i32
      }
      %scan3A_25 = arith.constant 2500 : i32
      %mul3A_26 = arith.constant 200 : i32
      %mul3A_27 = arith.muli %add3A_14, %mul3A_26 : i32
      %scan3A_28 = arith.constant 0 : i32
      %scan3A_29 = arith.constant 0 : i32
      %scan3A_30 = arith.constant 250 : i32
      %scan3A_31 = arith.addi %scan3A_29, %scan3A_30 : i32
      %scan3A_32 = arith.constant 1 : i32
      %scan3A_33 = scf.for %scan3A_36 = %scan3A_29 to %scan3A_31 step %scan3A_32 iter_args(%scan3A_37 = %scan3A_28) -> (i32)  : i32 {
        %mul3A_38 = arith.constant 16 : i32
        %mul3A_39 = arith.muli %scan3A_36, %mul3A_38 : i32
        %get3A = arith.index_cast %mul3A_39 : i32 to index
        %get3A_40 = tpu.vector_load %arg5[%get3A] {strides = array<i32>} : memref<4000xi32, #tpu.memory_space<vmem>>, vector<16xi32>,
        %sub3A = vector.broadcast %mul3A_27 : i32 to vector<16xi32>
        %sub3A_41 = arith.subi %get3A_40, %sub3A : vector<16xi32>
        %mul3A_42 = arith.constant 16 : i32
        %mul3A_43 = arith.muli %scan3A_36, %mul3A_42 : i32
        %get3A_44 = arith.index_cast %mul3A_43 : i32 to index
        %get3A_45 = tpu.vector_load %arg6[%get3A_44] {strides = array<i32>} : memref<4000xi32, #tpu.memory_space<vmem>>, vector<16xi32>,
        %sub3A_46 = vector.broadcast %mul3A_27 : i32 to vector<16xi32>
        %sub3A_47 = arith.subi %get3A_45, %sub3A_46 : vector<16xi32>
        %mul3A_48 = arith.constant 200 : i32
        %mul3A_49 = vector.broadcast %mul3A_48 : i32 to vector<16xi32>
        %mul3A_50 = arith.muli %sub3A_47, %mul3A_49 : vector<16xi32>
        %add3A_51 = arith.addi %mul3A_50, %sub3A_41 : vector<16xi32>
        tpu.vector_store_idx %arg7[%add3A_51], %broadcast_in_dim3A_3 {add = true} : memref<40000xf32, #tpu.memory_space<vmem>>[vector<16xi32>], vector<16xf32>,
        %scan3A_52 = arith.constant 0 : i32
        scf.yield %scan3A_52 : i32
      }
      %scan3A_34 = arith.constant 250 : i32
      "tpu.region"() ({
        %run_scoped3A = tpu.sem_alloc : memref<!tpu.dma_semaphore, #tpu.memory_space<semaphore_mem>>
        %dma_start3A = arith.constant 0 : i32
        %dma_start3A_36 = tpu.memref_slice %arg4[%add3A_14, %dma_start3A] : memref<128x40000xf32, #tpu.memory_space<hbm>> -> memref<1x40000xf32, #tpu.memory_space<hbm>>
        %dma_start3A_37 = tpu.memref_squeeze %dma_start3A_36 : memref<1x40000xf32, #tpu.memory_space<hbm>> -> memref<40000xf32, #tpu.memory_space<hbm>>
        %dma_start3A_38 = arith.constant 0 : i32
        %dma_start3A_39 = tpu.memref_slice %arg4[%add3A_14, %dma_start3A_38] : memref<128x40000xf32, #tpu.memory_space<hbm>> -> memref<1x40000xf32, #tpu.memory_space<hbm>>
        %dma_start3A_40 = tpu.memref_squeeze %dma_start3A_39 : memref<1x40000xf32, #tpu.memory_space<hbm>> -> memref<40000xf32, #tpu.memory_space<hbm>>
        tpu.enqueue_dma source(%arg7 : memref<40000xf32, #tpu.memory_space<vmem>>) target(%dma_start3A_40 : memref<40000xf32, #tpu.memory_space<hbm>>) target_semaphore(%run_scoped3A : memref<!tpu.dma_semaphore, #tpu.memory_space<semaphore_mem>>)
        %dma_wait3A = arith.constant 0 : i32
        %dma_wait3A_41 = tpu.memref_slice %arg4[%add3A_14, %dma_wait3A] : memref<128x40000xf32, #tpu.memory_space<hbm>> -> memref<1x40000xf32, #tpu.memory_space<hbm>>
        %dma_wait3A_42 = tpu.memref_squeeze %dma_wait3A_41 : memref<1x40000xf32, #tpu.memory_space<hbm>> -> memref<40000xf32, #tpu.memory_space<hbm>>
        %dma_wait3A_43 = arith.constant 0 : i32
        %dma_wait3A_44 = tpu.memref_slice %arg4[%add3A_14, %dma_wait3A_43] : memref<128x40000xf32, #tpu.memory_space<hbm>> -> memref<1x40000xf32, #tpu.memory_space<hbm>>
        %dma_wait3A_45 = tpu.memref_squeeze %dma_wait3A_44 : memref<1x40000xf32, #tpu.memory_space<hbm>> -> memref<40000xf32, #tpu.memory_space<hbm>>
        tpu.wait_dma2 semaphore(%run_scoped3A : memref<!tpu.dma_semaphore, #tpu.memory_space<semaphore_mem>>) src(%arg7 : memref<40000xf32, #tpu.memory_space<vmem>>) dst(%dma_wait3A_45 : memref<40000xf32, #tpu.memory_space<hbm>>)
        tpu.yield
      }) : () -> ()
      %scan3A_35 = arith.constant 0 : i32
      scf.yield %scan3A_35 : i32
    }
    %scan3A_9 = arith.constant 4 : i32
    return
  }
}

module attributes {stable_mosaic.version = 14 : i64} {
  func.func @_pre_body(%arg0: i32, %arg1: memref<3200x200xf32, #tpu.memory_space<vmem>>, %arg2: memref<200x128xf32, #tpu.memory_space<vmem>>, %arg3: memref<200x64xf32, #tpu.memory_space<vmem>>, %arg4: memref<3200x128xf32, #tpu.memory_space<vmem>>, %arg5: memref<3200x64xf32, #tpu.memory_space<vmem>>) attributes {dimension_semantics = [#tpu.dimension_semantics<arbitrary>], iteration_bounds = array<i64: 8>, scalar_prefetch = 0 : i64, scratch_operands = 0 : i64, tpu.core_type = #tpu.core_type<tc>, window_params = [{transform_indices = @transform_0, window_bounds = array<i64: 3200, 200>}, {pipeline_mode = #tpu.pipeline_mode<synchronous>, transform_indices = @transform_1, window_bounds = array<i64: 200, 128>}, {pipeline_mode = #tpu.pipeline_mode<synchronous>, transform_indices = @transform_2, window_bounds = array<i64: 200, 64>}, {transform_indices = @transform_3, window_bounds = array<i64: 3200, 128>}, {transform_indices = @transform_4, window_bounds = array<i64: 3200, 64>}]} {
    %get3A = arith.constant 0 : index
    %get3A_0 = arith.constant 0 : index
    %get3A_1 = vector.load %arg1[%get3A, %get3A_0] : memref<3200x200xf32, #tpu.memory_space<vmem>>, vector<3200x200xf32>
    %convert_element_type3A = arith.truncf %get3A_1 : vector<3200x200xf32> to vector<3200x200xbf16>
    %get3A_2 = arith.constant 0 : index
    %get3A_3 = arith.constant 0 : index
    %get3A_4 = vector.load %arg2[%get3A_2, %get3A_3] : memref<200x128xf32, #tpu.memory_space<vmem>>, vector<200x128xf32>
    %convert_element_type3A_5 = arith.truncf %get3A_4 : vector<200x128xf32> to vector<200x128xbf16>
    %dot_general3A = arith.constant dense<0.000000e+00> : vector<3200x128xf32>
    %dot_general3A_6 = tpu.matmul %convert_element_type3A, %convert_element_type3A_5, %dot_general3A {dimension_numbers = #tpu.dot_dimension_numbers<[1], [0], [0], [1], [0, 0, 1, 1], [], []>, transpose_lhs_hint = false} : vector<3200x200xbf16>, vector<200x128xbf16>, vector<3200x128xf32> -> vector<3200x128xf32>
    %swap3A = arith.constant 0 : index
    %swap3A_7 = arith.constant 0 : index
    %swap3A_8 = vector.load %arg4[%swap3A, %swap3A_7] : memref<3200x128xf32, #tpu.memory_space<vmem>>, vector<3200x128xf32>
    tpu.vector_store %arg4[%swap3A, %swap3A_7], %dot_general3A_6 {strides = array<i32>} : memref<3200x128xf32, #tpu.memory_space<vmem>>, vector<3200x128xf32>,
    %get3A_9 = arith.constant 0 : index
    %get3A_10 = arith.constant 0 : index
    %get3A_11 = vector.load %arg3[%get3A_9, %get3A_10] : memref<200x64xf32, #tpu.memory_space<vmem>>, vector<200x64xf32>
    %convert_element_type3A_12 = arith.truncf %get3A_11 : vector<200x64xf32> to vector<200x64xbf16>
    %dot_general3A_13 = arith.constant dense<0.000000e+00> : vector<3200x64xf32>
    %dot_general3A_14 = tpu.matmul %convert_element_type3A, %convert_element_type3A_12, %dot_general3A_13 {dimension_numbers = #tpu.dot_dimension_numbers<[1], [0], [0], [1], [0, 0, 1, 1], [], []>, transpose_lhs_hint = false} : vector<3200x200xbf16>, vector<200x64xbf16>, vector<3200x64xf32> -> vector<3200x64xf32>
    %swap3A_15 = arith.constant 0 : index
    %swap3A_16 = arith.constant 0 : index
    %swap3A_17 = vector.load %arg5[%swap3A_15, %swap3A_16] : memref<3200x64xf32, #tpu.memory_space<vmem>>, vector<3200x64xf32>
    tpu.vector_store %arg5[%swap3A_15, %swap3A_16], %dot_general3A_14 {strides = array<i32>} : memref<3200x64xf32, #tpu.memory_space<vmem>>, vector<3200x64xf32>,
    return
  }
  func.func @transform_0(%arg0: i32) -> (i32, i32) {
    %c0_i32 = arith.constant 0 : i32
    %c0_i32_0 = arith.constant 0 : i32
    return %arg0, %c0_i32 : i32, i32
  }
  func.func @transform_1(%arg0: i32) -> (i32, i32) {
    %c0_i32 = arith.constant 0 : i32
    %c0_i32_0 = arith.constant 0 : i32
    %c0_i32_1 = arith.constant 0 : i32
    return %c0_i32, %c0_i32_0 : i32, i32
  }
  func.func @transform_2(%arg0: i32) -> (i32, i32) {
    %c0_i32 = arith.constant 0 : i32
    %c0_i32_0 = arith.constant 0 : i32
    %c0_i32_1 = arith.constant 0 : i32
    return %c0_i32, %c0_i32_0 : i32, i32
  }
  func.func @transform_3(%arg0: i32) -> (i32, i32) {
    %c0_i32 = arith.constant 0 : i32
    %c0_i32_0 = arith.constant 0 : i32
    return %arg0, %c0_i32 : i32, i32
  }
  func.func @transform_4(%arg0: i32) -> (i32, i32) {
    %c0_i32 = arith.constant 0 : i32
    %c0_i32_0 = arith.constant 0 : i32
    return %arg0, %c0_i32 : i32, i32
  }
}

module attributes {stable_mosaic.version = 14 : i64} {
  func.func @_main_body(%arg0: i32, %arg1: memref<2x200x128xf32, #tpu.memory_space<vmem>>, %arg2: memref<2x200x64xf32, #tpu.memory_space<vmem>>, %arg3: memref<2x200x200xf32, #tpu.memory_space<vmem>>, %arg4: memref<2x200x200xf32, #tpu.memory_space<vmem>>, %arg5: memref<1x128xf32, #tpu.memory_space<vmem>>, %arg6: memref<128x200xf32, #tpu.memory_space<vmem>>, %arg7: memref<1x200xf32, #tpu.memory_space<vmem>>, %arg8: memref<128x200xf32, #tpu.memory_space<vmem>>, %arg9: memref<1x200xf32, #tpu.memory_space<vmem>>, %arg10: memref<1x64xf32, #tpu.memory_space<vmem>>, %arg11: memref<1x64xf32, #tpu.memory_space<vmem>>, %arg12: memref<64x64xf32, #tpu.memory_space<vmem>>, %arg13: memref<1x64xf32, #tpu.memory_space<vmem>>, %arg14: memref<1x64xf32, #tpu.memory_space<vmem>>, %arg15: memref<2x200x200xf32, #tpu.memory_space<vmem>>, %arg16: memref<2x1x256xf32, #tpu.memory_space<vmem>>, %arg17: memref<2x1x100xf32, #tpu.memory_space<vmem>>, %arg18: memref<2x1x50xf32, #tpu.memory_space<vmem>>) attributes {dimension_semantics = [#tpu.dimension_semantics<arbitrary>], iteration_bounds = array<i64: 64>, scalar_prefetch = 0 : i64, scratch_operands = 0 : i64, tpu.core_type = #tpu.core_type<tc>, window_params = [{transform_indices = @transform_0, window_bounds = array<i64: 2, 200, 128>}, {transform_indices = @transform_1, window_bounds = array<i64: 2, 200, 64>}, {transform_indices = @transform_2, window_bounds = array<i64: 2, 200, 200>}, {transform_indices = @transform_3, window_bounds = array<i64: 2, 200, 200>}, {pipeline_mode = #tpu.pipeline_mode<synchronous>, transform_indices = @transform_4, window_bounds = array<i64: 1, 128>}, {pipeline_mode = #tpu.pipeline_mode<synchronous>, transform_indices = @transform_5, window_bounds = array<i64: 128, 200>}, {pipeline_mode = #tpu.pipeline_mode<synchronous>, transform_indices = @transform_6, window_bounds = array<i64: 1, 200>}, {pipeline_mode = #tpu.pipeline_mode<synchronous>, transform_indices = @transform_7, window_bounds = array<i64: 128, 200>}, {pipeline_mode = #tpu.pipeline_mode<synchronous>, transform_indices = @transform_8, window_bounds = array<i64: 1, 200>}, {pipeline_mode = #tpu.pipeline_mode<synchronous>, transform_indices = @transform_9, window_bounds = array<i64: 1, 64>}, {pipeline_mode = #tpu.pipeline_mode<synchronous>, transform_indices = @transform_10, window_bounds = array<i64: 1, 64>}, {pipeline_mode = #tpu.pipeline_mode<synchronous>, transform_indices = @transform_11, window_bounds = array<i64: 64, 64>}, {pipeline_mode = #tpu.pipeline_mode<synchronous>, transform_indices = @transform_12, window_bounds = array<i64: 1, 64>}, {pipeline_mode = #tpu.pipeline_mode<synchronous>, transform_indices = @transform_13, window_bounds = array<i64: 1, 64>}, {transform_indices = @transform_14, window_bounds = array<i64: 2, 200, 200>}, {transform_indices = @transform_15, window_bounds = array<i64: 2, 1, 256>}, {transform_indices = @transform_16, window_bounds = array<i64: 2, 1, 100>}, {transform_indices = @transform_17, window_bounds = array<i64: 2, 1, 50>}]} {
    %iota3A = tpu.iota {dimensions = array<i32: 0>} : vector<200x200xi32>
    %iota3A_0 = tpu.iota {dimensions = array<i32: 1>} : vector<200x200xi32>
    %eq3A = arith.cmpi eq, %iota3A, %iota3A_0 : vector<200x200xi32>
    %convert_element_type3A = arith.extui %eq3A : vector<200x200xi1> to vector<200x200xi32>
    %convert_element_type3A_1 = arith.sitofp %convert_element_type3A : vector<200x200xi32> to vector<200x200xf32>
    %get3A = arith.constant 0 : index
    %get3A_2 = arith.constant 0 : index
    %get3A_3 = arith.constant 0 : index
    %get3A_4 = vector.load %arg4[%get3A, %get3A_2, %get3A_3] : memref<2x200x200xf32, #tpu.memory_space<vmem>>, vector<1x200x200xf32>
    %get3A_5 = vector.shape_cast %get3A_4 : vector<1x200x200xf32> to vector<200x200xf32>
    %get3A_6 = arith.constant 0 : index
    %get3A_7 = arith.constant 0 : index
    %get3A_8 = arith.constant 0 : index
    %get3A_9 = vector.load %arg1[%get3A_6, %get3A_7, %get3A_8] : memref<2x200x128xf32, #tpu.memory_space<vmem>>, vector<1x200x128xf32>
    %get3A_10 = vector.shape_cast %get3A_9 : vector<1x200x128xf32> to vector<200x128xf32>
    %get3A_11 = arith.constant 0 : index
    %get3A_12 = arith.constant 0 : index
    %get3A_13 = arith.constant 0 : index
    %get3A_14 = vector.load %arg2[%get3A_11, %get3A_12, %get3A_13] : memref<2x200x64xf32, #tpu.memory_space<vmem>>, vector<1x200x64xf32>
    %get3A_15 = vector.shape_cast %get3A_14 : vector<1x200x64xf32> to vector<200x64xf32>
    %get3A_16 = arith.constant 0 : index
    %get3A_17 = arith.constant 0 : index
    %get3A_18 = arith.constant 0 : index
    %get3A_19 = vector.load %arg3[%get3A_16, %get3A_17, %get3A_18] : memref<2x200x200xf32, #tpu.memory_space<vmem>>, vector<1x200x200xf32>
    %get3A_20 = vector.shape_cast %get3A_19 : vector<1x200x200xf32> to vector<200x200xf32>
    %reduce_sum3A = arith.constant dense<0.000000e+00> : vector<200xf32>
    %reduce_sum3A_21 = vector.multi_reduction <add>, %get3A_5, %reduce_sum3A [1] : vector<200x200xf32> to vector<200xf32>
    %broadcast_in_dim3A = vector.shape_cast %reduce_sum3A_21 : vector<200xf32> to vector<200x1xf32>
    %add3A = arith.constant 1.000000e+00 : f32
    %add3A_22 = vector.broadcast %add3A : f32 to vector<200x1xf32>
    %add3A_23 = arith.addf %broadcast_in_dim3A, %add3A_22 : vector<200x1xf32>
    %rsqrt3A = math.rsqrt %add3A_23 : vector<200x1xf32>
    %add3A_24 = arith.addf %get3A_5, %convert_element_type3A_1 : vector<200x200xf32>
    %mul3A = vector.broadcast %rsqrt3A : vector<200x1xf32> to vector<200x128xf32>
    %mul3A_25 = arith.mulf %mul3A, %get3A_10 : vector<200x128xf32>
    %convert_element_type3A_26 = arith.truncf %add3A_24 : vector<200x200xf32> to vector<200x200xbf16>
    %concatenate3A = tpu.concatenate %convert_element_type3A_26, %convert_element_type3A_26 in 1 : vector<200x200xbf16>, vector<200x200xbf16> -> vector<200x400xbf16>
    %convert_element_type3A_27 = arith.truncf %mul3A_25 : vector<200x128xf32> to vector<200x128xbf16>
    %convert_element_type3A_28 = arith.extf %convert_element_type3A_27 : vector<200x128xbf16> to vector<200x128xf32>
    %sub3A = arith.subf %mul3A_25, %convert_element_type3A_28 : vector<200x128xf32>
    %convert_element_type3A_29 = arith.truncf %sub3A : vector<200x128xf32> to vector<200x128xbf16>
    %concatenate3A_30 = tpu.concatenate %convert_element_type3A_27, %convert_element_type3A_29 in 0 : vector<200x128xbf16>, vector<200x128xbf16> -> vector<400x128xbf16>
    %dot_general3A = arith.constant dense<0.000000e+00> : vector<200x128xf32>
    %dot_general3A_31 = tpu.matmul %concatenate3A, %concatenate3A_30, %dot_general3A {dimension_numbers = #tpu.dot_dimension_numbers<[1], [0], [0], [1], [0, 0, 1, 1], [], []>, transpose_lhs_hint = false} : vector<200x400xbf16>, vector<400x128xbf16>, vector<200x128xf32> -> vector<200x128xf32>
    %mul3A_32 = vector.broadcast %rsqrt3A : vector<200x1xf32> to vector<200x128xf32>
    %mul3A_33 = arith.mulf %mul3A_32, %dot_general3A_31 : vector<200x128xf32>
    %get3A_34 = arith.constant 0 : index
    %get3A_35 = arith.constant 0 : index
    %get3A_36 = vector.load %arg5[%get3A_34, %get3A_35] : memref<1x128xf32, #tpu.memory_space<vmem>>, vector<1x128xf32>
    %add3A_37 = vector.broadcast %get3A_36 : vector<1x128xf32> to vector<200x128xf32>
    %add3A_38 = arith.addf %mul3A_33, %add3A_37 : vector<200x128xf32>
    %get3A_39 = arith.constant 0 : index
    %get3A_40 = arith.constant 0 : index
    %get3A_41 = vector.load %arg6[%get3A_39, %get3A_40] : memref<128x200xf32, #tpu.memory_space<vmem>>, vector<128x200xf32>
    %convert_element_type3A_42 = arith.truncf %add3A_38 : vector<200x128xf32> to vector<200x128xbf16>
    %convert_element_type3A_43 = arith.truncf %get3A_41 : vector<128x200xf32> to vector<128x200xbf16>
    %dot_general3A_44 = arith.constant dense<0.000000e+00> : vector<200x200xf32>
    %dot_general3A_45 = tpu.matmul %convert_element_type3A_42, %convert_element_type3A_43, %dot_general3A_44 {dimension_numbers = #tpu.dot_dimension_numbers<[1], [0], [0], [1], [0, 0, 1, 1], [], []>, transpose_lhs_hint = false} : vector<200x128xbf16>, vector<128x200xbf16>, vector<200x200xf32> -> vector<200x200xf32>
    %mul3A_46 = vector.broadcast %rsqrt3A : vector<200x1xf32> to vector<200x200xf32>
    %mul3A_47 = arith.mulf %mul3A_46, %dot_general3A_45 : vector<200x200xf32>
    %convert_element_type3A_48 = arith.truncf %add3A_24 : vector<200x200xf32> to vector<200x200xbf16>
    %concatenate3A_49 = tpu.concatenate %convert_element_type3A_48, %convert_element_type3A_48 in 1 : vector<200x200xbf16>, vector<200x200xbf16> -> vector<200x400xbf16>
    %convert_element_type3A_50 = arith.truncf %mul3A_47 : vector<200x200xf32> to vector<200x200xbf16>
    %convert_element_type3A_51 = arith.extf %convert_element_type3A_50 : vector<200x200xbf16> to vector<200x200xf32>
    %sub3A_52 = arith.subf %mul3A_47, %convert_element_type3A_51 : vector<200x200xf32>
    %convert_element_type3A_53 = arith.truncf %sub3A_52 : vector<200x200xf32> to vector<200x200xbf16>
    %concatenate3A_54 = tpu.concatenate %convert_element_type3A_50, %convert_element_type3A_53 in 0 : vector<200x200xbf16>, vector<200x200xbf16> -> vector<400x200xbf16>
    %dot_general3A_55 = arith.constant dense<0.000000e+00> : vector<200x200xf32>
    %dot_general3A_56 = tpu.matmul %concatenate3A_49, %concatenate3A_54, %dot_general3A_55 {dimension_numbers = #tpu.dot_dimension_numbers<[1], [0], [0], [1], [0, 0, 1, 1], [], []>, transpose_lhs_hint = false} : vector<200x400xbf16>, vector<400x200xbf16>, vector<200x200xf32> -> vector<200x200xf32>
    %mul3A_57 = vector.broadcast %rsqrt3A : vector<200x1xf32> to vector<200x200xf32>
    %mul3A_58 = arith.mulf %mul3A_57, %dot_general3A_56 : vector<200x200xf32>
    %get3A_59 = arith.constant 0 : index
    %get3A_60 = arith.constant 0 : index
    %get3A_61 = vector.load %arg7[%get3A_59, %get3A_60] : memref<1x200xf32, #tpu.memory_space<vmem>>, vector<1x200xf32>
    %add3A_62 = vector.broadcast %get3A_61 : vector<1x200xf32> to vector<200x200xf32>
    %add3A_63 = arith.addf %mul3A_58, %add3A_62 : vector<200x200xf32>
    %max3A = arith.constant 0.000000e+00 : f32
    %max3A_64 = vector.broadcast %max3A : f32 to vector<200x200xf32>
    %max3A_65 = arith.maximumf %add3A_63, %max3A_64 : vector<200x200xf32>
    %get3A_66 = arith.constant 0 : index
    %get3A_67 = arith.constant 0 : index
    %get3A_68 = vector.load %arg8[%get3A_66, %get3A_67] : memref<128x200xf32, #tpu.memory_space<vmem>>, vector<128x200xf32>
    %convert_element_type3A_69 = arith.truncf %add3A_38 : vector<200x128xf32> to vector<200x128xbf16>
    %convert_element_type3A_70 = arith.truncf %get3A_68 : vector<128x200xf32> to vector<128x200xbf16>
    %dot_general3A_71 = arith.constant dense<0.000000e+00> : vector<200x200xf32>
    %dot_general3A_72 = tpu.matmul %convert_element_type3A_69, %convert_element_type3A_70, %dot_general3A_71 {dimension_numbers = #tpu.dot_dimension_numbers<[1], [0], [0], [1], [0, 0, 1, 1], [], []>, transpose_lhs_hint = false} : vector<200x128xbf16>, vector<128x200xbf16>, vector<200x200xf32> -> vector<200x200xf32>
    %mul3A_73 = vector.broadcast %rsqrt3A : vector<200x1xf32> to vector<200x200xf32>
    %mul3A_74 = arith.mulf %mul3A_73, %dot_general3A_72 : vector<200x200xf32>
    %convert_element_type3A_75 = arith.truncf %add3A_24 : vector<200x200xf32> to vector<200x200xbf16>
    %concatenate3A_76 = tpu.concatenate %convert_element_type3A_75, %convert_element_type3A_75 in 1 : vector<200x200xbf16>, vector<200x200xbf16> -> vector<200x400xbf16>
    %convert_element_type3A_77 = arith.truncf %mul3A_74 : vector<200x200xf32> to vector<200x200xbf16>
    %convert_element_type3A_78 = arith.extf %convert_element_type3A_77 : vector<200x200xbf16> to vector<200x200xf32>
    %sub3A_79 = arith.subf %mul3A_74, %convert_element_type3A_78 : vector<200x200xf32>
    %convert_element_type3A_80 = arith.truncf %sub3A_79 : vector<200x200xf32> to vector<200x200xbf16>
    %concatenate3A_81 = tpu.concatenate %convert_element_type3A_77, %convert_element_type3A_80 in 0 : vector<200x200xbf16>, vector<200x200xbf16> -> vector<400x200xbf16>
    %dot_general3A_82 = arith.constant dense<0.000000e+00> : vector<200x200xf32>
    %dot_general3A_83 = tpu.matmul %concatenate3A_76, %concatenate3A_81, %dot_general3A_82 {dimension_numbers = #tpu.dot_dimension_numbers<[1], [0], [0], [1], [0, 0, 1, 1], [], []>, transpose_lhs_hint = false} : vector<200x400xbf16>, vector<400x200xbf16>, vector<200x200xf32> -> vector<200x200xf32>
    %mul3A_84 = vector.broadcast %rsqrt3A : vector<200x1xf32> to vector<200x200xf32>
    %mul3A_85 = arith.mulf %mul3A_84, %dot_general3A_83 : vector<200x200xf32>
    %get3A_86 = arith.constant 0 : index
    %get3A_87 = arith.constant 0 : index
    %get3A_88 = vector.load %arg9[%get3A_86, %get3A_87] : memref<1x200xf32, #tpu.memory_space<vmem>>, vector<1x200xf32>
    %add3A_89 = vector.broadcast %get3A_88 : vector<1x200xf32> to vector<200x200xf32>
    %add3A_90 = arith.addf %mul3A_85, %add3A_89 : vector<200x200xf32>
    %max3A_91 = arith.constant 0.000000e+00 : f32
    %max3A_92 = vector.broadcast %max3A_91 : f32 to vector<200x200xf32>
    %max3A_93 = arith.maximumf %add3A_90, %max3A_92 : vector<200x200xf32>
    %exp3A = math.exp %max3A_93 : vector<200x200xf32>
    %mul3A_94 = arith.mulf %get3A_20, %exp3A : vector<200x200xf32>
    %add3A_95 = arith.addf %max3A_65, %mul3A_94 : vector<200x200xf32>
    %convert_element_type3A_96 = arith.truncf %add3A_95 : vector<200x200xf32> to vector<200x200xbf16>
    %dot_general3A_97 = arith.constant dense<0.000000e+00> : vector<200x200xf32>
    %dot_general3A_98 = tpu.matmul %convert_element_type3A_96, %convert_element_type3A_96, %dot_general3A_97 {dimension_numbers = #tpu.dot_dimension_numbers<[1], [1], [0], [0], [0, 0, 1, 0], [], []>, transpose_lhs_hint = false} : vector<200x200xbf16>, vector<200x200xbf16>, vector<200x200xf32> -> vector<200x200xf32>
    %swap3A = arith.constant 0 : index
    %swap3A_99 = arith.constant 0 : index
    %swap3A_100 = arith.constant 0 : index
    %swap3A_101 = vector.load %arg15[%swap3A, %swap3A_99, %swap3A_100] : memref<2x200x200xf32, #tpu.memory_space<vmem>>, vector<1x200x200xf32>
    %swap3A_102 = vector.shape_cast %swap3A_101 : vector<1x200x200xf32> to vector<200x200xf32>
    %swap3A_103 = vector.shape_cast %dot_general3A_98 : vector<200x200xf32> to vector<1x200x200xf32>
    tpu.vector_store %arg15[%swap3A, %swap3A_99, %swap3A_100], %swap3A_103 {strides = array<i32>} : memref<2x200x200xf32, #tpu.memory_space<vmem>>, vector<1x200x200xf32>,
    %dot_general3A_104 = arith.constant dense<0.000000e+00> : vector<200x64xf32>
    %dot_general3A_105 = tpu.matmul %get3A_5, %get3A_15, %dot_general3A_104 {dimension_numbers = #tpu.dot_dimension_numbers<[1], [0], [0], [1], [0, 0, 1, 1], [], []>, precision = #tpu.contract_precision<fp32>, transpose_lhs_hint = false} : vector<200x200xf32>, vector<200x64xf32>, vector<200x64xf32> -> vector<200x64xf32>
    %get3A_106 = arith.constant 0 : index
    %get3A_107 = arith.constant 0 : index
    %get3A_108 = vector.load %arg10[%get3A_106, %get3A_107] : memref<1x64xf32, #tpu.memory_space<vmem>>, vector<1x64xf32>
    %add3A_109 = vector.broadcast %get3A_108 : vector<1x64xf32> to vector<200x64xf32>
    %add3A_110 = arith.addf %dot_general3A_105, %add3A_109 : vector<200x64xf32>
    %max3A_111 = arith.constant 0.000000e+00 : f32
    %max3A_112 = vector.broadcast %max3A_111 : f32 to vector<200x64xf32>
    %max3A_113 = arith.maximumf %add3A_110, %max3A_112 : vector<200x64xf32>
    %get3A_114 = arith.constant 0 : index
    %get3A_115 = arith.constant 0 : index
    %get3A_116 = vector.load %arg11[%get3A_114, %get3A_115] : memref<1x64xf32, #tpu.memory_space<vmem>>, vector<1x64xf32>
    %mul3A_117 = arith.mulf %get3A_116, %get3A_116 : vector<1x64xf32>
    %reduce_sum3A_118 = vector.shape_cast %mul3A_117 : vector<1x64xf32> to vector<1x1x64xf32>
    %reduce_sum3A_119 = arith.constant dense<0.000000e+00> : vector<1xf32>
    %reduce_sum3A_120 = vector.multi_reduction <add>, %reduce_sum3A_118, %reduce_sum3A_119 [1, 2] : vector<1x1x64xf32> to vector<1xf32>
    %reduce_sum3A_121 = vector.shape_cast %reduce_sum3A_120 : vector<1xf32> to vector<1x1x1xf32>
    %reduce_sum3A_122 = vector.extract %reduce_sum3A_121[0, 0, 0] : f32 from vector<1x1x1xf32>
    %sqrt3A = math.sqrt %reduce_sum3A_122 : f32
    %transpose3A = tpu.transpose %get3A_116, [1, 0] : vector<1x64xf32> -> vector<64x1xf32>
    %convert_element_type3A_123 = arith.truncf %max3A_113 : vector<200x64xf32> to vector<200x64xbf16>
    %convert_element_type3A_124 = arith.truncf %transpose3A : vector<64x1xf32> to vector<64x1xbf16>
    %dot_general3A_125 = arith.constant dense<0.000000e+00> : vector<200x1xf32>
    %dot_general3A_126 = tpu.matmul %convert_element_type3A_123, %convert_element_type3A_124, %dot_general3A_125 {dimension_numbers = #tpu.dot_dimension_numbers<[1], [0], [0], [1], [0, 0, 1, 1], [], []>, transpose_lhs_hint = false} : vector<200x64xbf16>, vector<64x1xbf16>, vector<200x1xf32> -> vector<200x1xf32>
    %div3A = vector.broadcast %sqrt3A : f32 to vector<200x1xf32>
    %div3A_127 = arith.divf %dot_general3A_126, %div3A : vector<200x1xf32>
    %tanh3A = math.tanh %div3A_127 : vector<200x1xf32>
    %transpose3A_128 = tpu.transpose %dot_general3A_126, [1, 0] : vector<200x1xf32> -> vector<1x200xf32>
    %iota3A_129 = tpu.iota {dimensions = array<i32: 0>} : vector<200x200xi32>
    %iota3A_130 = tpu.iota {dimensions = array<i32: 1>} : vector<200x200xi32>
    %gt3A = vector.broadcast %dot_general3A_126 : vector<200x1xf32> to vector<200x200xf32>
    %gt3A_131 = vector.broadcast %transpose3A_128 : vector<1x200xf32> to vector<200x200xf32>
    %gt3A_132 = arith.cmpf ogt, %gt3A, %gt3A_131 : vector<200x200xf32>
    %eq3A_133 = vector.broadcast %dot_general3A_126 : vector<200x1xf32> to vector<200x200xf32>
    %eq3A_134 = vector.broadcast %transpose3A_128 : vector<1x200xf32> to vector<200x200xf32>
    %eq3A_135 = arith.cmpf oeq, %eq3A_133, %eq3A_134 : vector<200x200xf32>
    %lt3A = arith.cmpi slt, %iota3A_129, %iota3A_130 : vector<200x200xi32>
    %and3A = arith.andi %eq3A_135, %lt3A : vector<200x200xi1>
    %or3A = arith.ori %gt3A_132, %and3A : vector<200x200xi1>
    %convert_element_type3A_136 = arith.extui %or3A : vector<200x200xi1> to vector<200x200xi32>
    %convert_element_type3A_137 = arith.sitofp %convert_element_type3A_136 : vector<200x200xi32> to vector<200x200xf32>
    %reduce_sum3A_138 = arith.constant dense<0.000000e+00> : vector<200xf32>
    %reduce_sum3A_139 = vector.multi_reduction <add>, %convert_element_type3A_137, %reduce_sum3A_138 [0] : vector<200x200xf32> to vector<200xf32>
    %broadcast_in_dim3A_140 = vector.shape_cast %reduce_sum3A_139 : vector<200xf32> to vector<1x200xf32>
    %gt3A_141 = vector.broadcast %transpose3A_128 : vector<1x200xf32> to vector<200x200xf32>
    %gt3A_142 = vector.broadcast %dot_general3A_126 : vector<200x1xf32> to vector<200x200xf32>
    %gt3A_143 = arith.cmpf ogt, %gt3A_141, %gt3A_142 : vector<200x200xf32>
    %eq3A_144 = vector.broadcast %transpose3A_128 : vector<1x200xf32> to vector<200x200xf32>
    %eq3A_145 = vector.broadcast %dot_general3A_126 : vector<200x1xf32> to vector<200x200xf32>
    %eq3A_146 = arith.cmpf oeq, %eq3A_144, %eq3A_145 : vector<200x200xf32>
    %lt3A_147 = arith.cmpi slt, %iota3A_130, %iota3A_129 : vector<200x200xi32>
    %and3A_148 = arith.andi %eq3A_146, %lt3A_147 : vector<200x200xi1>
    %or3A_149 = arith.ori %gt3A_143, %and3A_148 : vector<200x200xi1>
    %convert_element_type3A_150 = arith.extui %or3A_149 : vector<200x200xi1> to vector<200x200xi32>
    %convert_element_type3A_151 = arith.sitofp %convert_element_type3A_150 : vector<200x200xi32> to vector<200x200xf32>
    %reduce_sum3A_152 = arith.constant dense<0.000000e+00> : vector<200xf32>
    %reduce_sum3A_153 = vector.multi_reduction <add>, %convert_element_type3A_151, %reduce_sum3A_152 [1] : vector<200x200xf32> to vector<200xf32>
    %broadcast_in_dim3A_154 = vector.shape_cast %reduce_sum3A_153 : vector<200xf32> to vector<200x1xf32>
    %iota3A_155 = tpu.iota {dimensions = array<i32: 0>} : vector<100x200xi32>
    %convert_element_type3A_156 = arith.sitofp %iota3A_155 : vector<100x200xi32> to vector<100x200xf32>
    %eq3A_157 = vector.broadcast %broadcast_in_dim3A_140 : vector<1x200xf32> to vector<100x200xf32>
    %eq3A_158 = arith.cmpf oeq, %eq3A_157, %convert_element_type3A_156 : vector<100x200xf32>
    %convert_element_type3A_159 = arith.extui %eq3A_158 : vector<100x200xi1> to vector<100x200xi32>
    %convert_element_type3A_160 = arith.sitofp %convert_element_type3A_159 : vector<100x200xi32> to vector<100x200xf32>
    %iota3A_161 = tpu.iota {dimensions = array<i32: 1>} : vector<200x100xi32>
    %convert_element_type3A_162 = arith.sitofp %iota3A_161 : vector<200x100xi32> to vector<200x100xf32>
    %eq3A_163 = vector.broadcast %broadcast_in_dim3A_154 : vector<200x1xf32> to vector<200x100xf32>
    %eq3A_164 = arith.cmpf oeq, %eq3A_163, %convert_element_type3A_162 : vector<200x100xf32>
    %convert_element_type3A_165 = arith.extui %eq3A_164 : vector<200x100xi1> to vector<200x100xi32>
    %convert_element_type3A_166 = arith.sitofp %convert_element_type3A_165 : vector<200x100xi32> to vector<200x100xf32>
    %dot_general3A_167 = arith.constant dense<0.000000e+00> : vector<100x1xf32>
    %dot_general3A_168 = tpu.matmul %convert_element_type3A_160, %tanh3A, %dot_general3A_167 {dimension_numbers = #tpu.dot_dimension_numbers<[1], [0], [0], [1], [0, 0, 1, 1], [], []>, precision = #tpu.contract_precision<fp32>, transpose_lhs_hint = false} : vector<100x200xf32>, vector<200x1xf32>, vector<100x1xf32> -> vector<100x1xf32>
    %transpose3A_169 = tpu.transpose %dot_general3A_168, [1, 0] : vector<100x1xf32> -> vector<1x100xf32>
    %dot_general3A_170 = arith.constant dense<0.000000e+00> : vector<100x64xf32>
    %dot_general3A_171 = tpu.matmul %convert_element_type3A_160, %max3A_113, %dot_general3A_170 {dimension_numbers = #tpu.dot_dimension_numbers<[1], [0], [0], [1], [0, 0, 1, 1], [], []>, precision = #tpu.contract_precision<fp32>, transpose_lhs_hint = false} : vector<100x200xf32>, vector<200x64xf32>, vector<100x64xf32> -> vector<100x64xf32>
    %mul3A_172 = vector.broadcast %dot_general3A_168 : vector<100x1xf32> to vector<100x64xf32>
    %mul3A_173 = arith.mulf %dot_general3A_171, %mul3A_172 : vector<100x64xf32>
    %convert_element_type3A_174 = arith.truncf %convert_element_type3A_160 : vector<100x200xf32> to vector<100x200xbf16>
    %convert_element_type3A_175 = arith.truncf %get3A_5 : vector<200x200xf32> to vector<200x200xbf16>
    %dot_general3A_176 = arith.constant dense<0.000000e+00> : vector<100x200xf32>
    %dot_general3A_177 = tpu.matmul %convert_element_type3A_174, %convert_element_type3A_175, %dot_general3A_176 {dimension_numbers = #tpu.dot_dimension_numbers<[1], [0], [0], [1], [0, 0, 1, 1], [], []>, transpose_lhs_hint = false} : vector<100x200xbf16>, vector<200x200xbf16>, vector<100x200xf32> -> vector<100x200xf32>
    %convert_element_type3A_178 = arith.truncf %dot_general3A_177 : vector<100x200xf32> to vector<100x200xbf16>
    %convert_element_type3A_179 = arith.truncf %convert_element_type3A_166 : vector<200x100xf32> to vector<200x100xbf16>
    %dot_general3A_180 = arith.constant dense<0.000000e+00> : vector<100x100xf32>
    %dot_general3A_181 = tpu.matmul %convert_element_type3A_178, %convert_element_type3A_179, %dot_general3A_180 {dimension_numbers = #tpu.dot_dimension_numbers<[1], [0], [0], [1], [0, 0, 1, 1], [], []>, transpose_lhs_hint = false} : vector<100x200xbf16>, vector<200x100xbf16>, vector<100x100xf32> -> vector<100x100xf32>
    %reduce_max3A = arith.constant dense<0xFF800000> : vector<64xf32>
    %reduce_max3A_182 = vector.multi_reduction <maximumf>, %mul3A_173, %reduce_max3A [0] : vector<100x64xf32> to vector<64xf32>
    %broadcast_in_dim3A_183 = vector.shape_cast %reduce_max3A_182 : vector<64xf32> to vector<1x64xf32>
    %reduce_sum3A_184 = arith.constant dense<0.000000e+00> : vector<64xf32>
    %reduce_sum3A_185 = vector.multi_reduction <add>, %mul3A_173, %reduce_sum3A_184 [0] : vector<100x64xf32> to vector<64xf32>
    %broadcast_in_dim3A_186 = vector.shape_cast %reduce_sum3A_185 : vector<64xf32> to vector<1x64xf32>
    %div3A_187 = arith.constant 1.000000e+02 : f32
    %div3A_188 = vector.broadcast %div3A_187 : f32 to vector<1x64xf32>
    %div3A_189 = arith.divf %broadcast_in_dim3A_186, %div3A_188 : vector<1x64xf32>
    %get3A_190 = arith.constant 0 : index
    %get3A_191 = arith.constant 0 : index
    %get3A_192 = vector.load %arg12[%get3A_190, %get3A_191] : memref<64x64xf32, #tpu.memory_space<vmem>>, vector<64x64xf32>
    %convert_element_type3A_193 = arith.truncf %mul3A_173 : vector<100x64xf32> to vector<100x64xbf16>
    %convert_element_type3A_194 = arith.truncf %get3A_192 : vector<64x64xf32> to vector<64x64xbf16>
    %dot_general3A_195 = arith.constant dense<0.000000e+00> : vector<100x64xf32>
    %dot_general3A_196 = tpu.matmul %convert_element_type3A_193, %convert_element_type3A_194, %dot_general3A_195 {dimension_numbers = #tpu.dot_dimension_numbers<[1], [0], [0], [1], [0, 0, 1, 1], [], []>, transpose_lhs_hint = false} : vector<100x64xbf16>, vector<64x64xbf16>, vector<100x64xf32> -> vector<100x64xf32>
    %dot_general3A_197 = arith.constant dense<0.000000e+00> : vector<100x64xf32>
    %dot_general3A_198 = tpu.matmul %dot_general3A_181, %dot_general3A_196, %dot_general3A_197 {dimension_numbers = #tpu.dot_dimension_numbers<[1], [0], [0], [1], [0, 0, 1, 1], [], []>, precision = #tpu.contract_precision<fp32>, transpose_lhs_hint = false} : vector<100x100xf32>, vector<100x64xf32>, vector<100x64xf32> -> vector<100x64xf32>
    %get3A_199 = arith.constant 0 : index
    %get3A_200 = arith.constant 0 : index
    %get3A_201 = vector.load %arg13[%get3A_199, %get3A_200] : memref<1x64xf32, #tpu.memory_space<vmem>>, vector<1x64xf32>
    %add3A_202 = vector.broadcast %get3A_201 : vector<1x64xf32> to vector<100x64xf32>
    %add3A_203 = arith.addf %dot_general3A_198, %add3A_202 : vector<100x64xf32>
    %max3A_204 = arith.constant 0.000000e+00 : f32
    %max3A_205 = vector.broadcast %max3A_204 : f32 to vector<100x64xf32>
    %max3A_206 = arith.maximumf %add3A_203, %max3A_205 : vector<100x64xf32>
    %get3A_207 = arith.constant 0 : index
    %get3A_208 = arith.constant 0 : index
    %get3A_209 = vector.load %arg14[%get3A_207, %get3A_208] : memref<1x64xf32, #tpu.memory_space<vmem>>, vector<1x64xf32>
    %mul3A_210 = arith.mulf %get3A_209, %get3A_209 : vector<1x64xf32>
    %reduce_sum3A_211 = vector.shape_cast %mul3A_210 : vector<1x64xf32> to vector<1x1x64xf32>
    %reduce_sum3A_212 = arith.constant dense<0.000000e+00> : vector<1xf32>
    %reduce_sum3A_213 = vector.multi_reduction <add>, %reduce_sum3A_211, %reduce_sum3A_212 [1, 2] : vector<1x1x64xf32> to vector<1xf32>
    %reduce_sum3A_214 = vector.shape_cast %reduce_sum3A_213 : vector<1xf32> to vector<1x1x1xf32>
    %reduce_sum3A_215 = vector.extract %reduce_sum3A_214[0, 0, 0] : f32 from vector<1x1x1xf32>
    %sqrt3A_216 = math.sqrt %reduce_sum3A_215 : f32
    %transpose3A_217 = tpu.transpose %get3A_209, [1, 0] : vector<1x64xf32> -> vector<64x1xf32>
    %convert_element_type3A_218 = arith.truncf %max3A_206 : vector<100x64xf32> to vector<100x64xbf16>
    %convert_element_type3A_219 = arith.truncf %transpose3A_217 : vector<64x1xf32> to vector<64x1xbf16>
    %dot_general3A_220 = arith.constant dense<0.000000e+00> : vector<100x1xf32>
    %dot_general3A_221 = tpu.matmul %convert_element_type3A_218, %convert_element_type3A_219, %dot_general3A_220 {dimension_numbers = #tpu.dot_dimension_numbers<[1], [0], [0], [1], [0, 0, 1, 1], [], []>, transpose_lhs_hint = false} : vector<100x64xbf16>, vector<64x1xbf16>, vector<100x1xf32> -> vector<100x1xf32>
    %div3A_222 = vector.broadcast %sqrt3A_216 : f32 to vector<100x1xf32>
    %div3A_223 = arith.divf %dot_general3A_221, %div3A_222 : vector<100x1xf32>
    %tanh3A_224 = math.tanh %div3A_223 : vector<100x1xf32>
    %transpose3A_225 = tpu.transpose %dot_general3A_221, [1, 0] : vector<100x1xf32> -> vector<1x100xf32>
    %iota3A_226 = tpu.iota {dimensions = array<i32: 0>} : vector<100x100xi32>
    %iota3A_227 = tpu.iota {dimensions = array<i32: 1>} : vector<100x100xi32>
    %gt3A_228 = vector.broadcast %dot_general3A_221 : vector<100x1xf32> to vector<100x100xf32>
    %gt3A_229 = vector.broadcast %transpose3A_225 : vector<1x100xf32> to vector<100x100xf32>
    %gt3A_230 = arith.cmpf ogt, %gt3A_228, %gt3A_229 : vector<100x100xf32>
    %eq3A_231 = vector.broadcast %dot_general3A_221 : vector<100x1xf32> to vector<100x100xf32>
    %eq3A_232 = vector.broadcast %transpose3A_225 : vector<1x100xf32> to vector<100x100xf32>
    %eq3A_233 = arith.cmpf oeq, %eq3A_231, %eq3A_232 : vector<100x100xf32>
    %lt3A_234 = arith.cmpi slt, %iota3A_226, %iota3A_227 : vector<100x100xi32>
    %and3A_235 = arith.andi %eq3A_233, %lt3A_234 : vector<100x100xi1>
    %or3A_236 = arith.ori %gt3A_230, %and3A_235 : vector<100x100xi1>
    %convert_element_type3A_237 = arith.extui %or3A_236 : vector<100x100xi1> to vector<100x100xi32>
    %convert_element_type3A_238 = arith.sitofp %convert_element_type3A_237 : vector<100x100xi32> to vector<100x100xf32>
    %reduce_sum3A_239 = arith.constant dense<0.000000e+00> : vector<100xf32>
    %reduce_sum3A_240 = vector.multi_reduction <add>, %convert_element_type3A_238, %reduce_sum3A_239 [0] : vector<100x100xf32> to vector<100xf32>
    %broadcast_in_dim3A_241 = vector.shape_cast %reduce_sum3A_240 : vector<100xf32> to vector<1x100xf32>
    %iota3A_242 = tpu.iota {dimensions = array<i32: 0>} : vector<50x100xi32>
    %convert_element_type3A_243 = arith.sitofp %iota3A_242 : vector<50x100xi32> to vector<50x100xf32>
    %eq3A_244 = vector.broadcast %broadcast_in_dim3A_241 : vector<1x100xf32> to vector<50x100xf32>
    %eq3A_245 = arith.cmpf oeq, %eq3A_244, %convert_element_type3A_243 : vector<50x100xf32>
    %convert_element_type3A_246 = arith.extui %eq3A_245 : vector<50x100xi1> to vector<50x100xi32>
    %convert_element_type3A_247 = arith.sitofp %convert_element_type3A_246 : vector<50x100xi32> to vector<50x100xf32>
    %dot_general3A_248 = arith.constant dense<0.000000e+00> : vector<50x1xf32>
    %dot_general3A_249 = tpu.matmul %convert_element_type3A_247, %tanh3A_224, %dot_general3A_248 {dimension_numbers = #tpu.dot_dimension_numbers<[1], [0], [0], [1], [0, 0, 1, 1], [], []>, precision = #tpu.contract_precision<fp32>, transpose_lhs_hint = false} : vector<50x100xf32>, vector<100x1xf32>, vector<50x1xf32> -> vector<50x1xf32>
    %transpose3A_250 = tpu.transpose %dot_general3A_249, [1, 0] : vector<50x1xf32> -> vector<1x50xf32>
    %dot_general3A_251 = arith.constant dense<0.000000e+00> : vector<50x64xf32>
    %dot_general3A_252 = tpu.matmul %convert_element_type3A_247, %max3A_206, %dot_general3A_251 {dimension_numbers = #tpu.dot_dimension_numbers<[1], [0], [0], [1], [0, 0, 1, 1], [], []>, precision = #tpu.contract_precision<fp32>, transpose_lhs_hint = false} : vector<50x100xf32>, vector<100x64xf32>, vector<50x64xf32> -> vector<50x64xf32>
    %mul3A_253 = vector.broadcast %dot_general3A_249 : vector<50x1xf32> to vector<50x64xf32>
    %mul3A_254 = arith.mulf %dot_general3A_252, %mul3A_253 : vector<50x64xf32>
    %reduce_max3A_255 = arith.constant dense<0xFF800000> : vector<64xf32>
    %reduce_max3A_256 = vector.multi_reduction <maximumf>, %mul3A_254, %reduce_max3A_255 [0] : vector<50x64xf32> to vector<64xf32>
    %broadcast_in_dim3A_257 = vector.shape_cast %reduce_max3A_256 : vector<64xf32> to vector<1x64xf32>
    %reduce_sum3A_258 = arith.constant dense<0.000000e+00> : vector<64xf32>
    %reduce_sum3A_259 = vector.multi_reduction <add>, %mul3A_254, %reduce_sum3A_258 [0] : vector<50x64xf32> to vector<64xf32>
    %broadcast_in_dim3A_260 = vector.shape_cast %reduce_sum3A_259 : vector<64xf32> to vector<1x64xf32>
    %div3A_261 = arith.constant 5.000000e+01 : f32
    %div3A_262 = vector.broadcast %div3A_261 : f32 to vector<1x64xf32>
    %div3A_263 = arith.divf %broadcast_in_dim3A_260, %div3A_262 : vector<1x64xf32>
    %concatenate3A_264 = tpu.concatenate %broadcast_in_dim3A_183, %div3A_189, %broadcast_in_dim3A_257, %div3A_263 in 1 : vector<1x64xf32>, vector<1x64xf32>, vector<1x64xf32>, vector<1x64xf32> -> vector<1x256xf32>
    %swap3A_265 = arith.constant 0 : index
    %swap3A_266 = arith.constant 0 : index
    %swap3A_267 = arith.constant 0 : index
    %swap3A_268 = vector.load %arg16[%swap3A_265, %swap3A_266, %swap3A_267] : memref<2x1x256xf32, #tpu.memory_space<vmem>>, vector<1x1x256xf32>
    %swap3A_269 = vector.shape_cast %swap3A_268 : vector<1x1x256xf32> to vector<1x256xf32>
    %swap3A_270 = vector.shape_cast %concatenate3A_264 : vector<1x256xf32> to vector<1x1x256xf32>
    tpu.vector_store %arg16[%swap3A_265, %swap3A_266, %swap3A_267], %swap3A_270 {strides = array<i32>} : memref<2x1x256xf32, #tpu.memory_space<vmem>>, vector<1x1x256xf32>,
    %logistic3A = arith.negf %transpose3A_169 : vector<1x100xf32>
    %logistic3A_271 = math.exp %logistic3A : vector<1x100xf32>
    %logistic3A_272 = arith.constant 1.000000e+00 : f32
    %logistic3A_273 = vector.broadcast %logistic3A_272 : f32 to vector<1x100xf32>
    %logistic3A_274 = arith.addf %logistic3A_273, %logistic3A_271 : vector<1x100xf32>
    %logistic3A_275 = arith.divf %logistic3A_273, %logistic3A_274 : vector<1x100xf32>
    %swap3A_276 = arith.constant 0 : index
    %swap3A_277 = arith.constant 0 : index
    %swap3A_278 = arith.constant 0 : index
    %swap3A_279 = vector.load %arg17[%swap3A_276, %swap3A_277, %swap3A_278] : memref<2x1x100xf32, #tpu.memory_space<vmem>>, vector<1x1x100xf32>
    %swap3A_280 = vector.shape_cast %swap3A_279 : vector<1x1x100xf32> to vector<1x100xf32>
    %swap3A_281 = vector.shape_cast %logistic3A_275 : vector<1x100xf32> to vector<1x1x100xf32>
    tpu.vector_store %arg17[%swap3A_276, %swap3A_277, %swap3A_278], %swap3A_281 {strides = array<i32>} : memref<2x1x100xf32, #tpu.memory_space<vmem>>, vector<1x1x100xf32>,
    %logistic3A_282 = arith.negf %transpose3A_250 : vector<1x50xf32>
    %logistic3A_283 = math.exp %logistic3A_282 : vector<1x50xf32>
    %logistic3A_284 = arith.constant 1.000000e+00 : f32
    %logistic3A_285 = vector.broadcast %logistic3A_284 : f32 to vector<1x50xf32>
    %logistic3A_286 = arith.addf %logistic3A_285, %logistic3A_283 : vector<1x50xf32>
    %logistic3A_287 = arith.divf %logistic3A_285, %logistic3A_286 : vector<1x50xf32>
    %swap3A_288 = arith.constant 0 : index
    %swap3A_289 = arith.constant 0 : index
    %swap3A_290 = arith.constant 0 : index
    %swap3A_291 = vector.load %arg18[%swap3A_288, %swap3A_289, %swap3A_290] : memref<2x1x50xf32, #tpu.memory_space<vmem>>, vector<1x1x50xf32>
    %swap3A_292 = vector.shape_cast %swap3A_291 : vector<1x1x50xf32> to vector<1x50xf32>
    %swap3A_293 = vector.shape_cast %logistic3A_287 : vector<1x50xf32> to vector<1x1x50xf32>
    tpu.vector_store %arg18[%swap3A_288, %swap3A_289, %swap3A_290], %swap3A_293 {strides = array<i32>} : memref<2x1x50xf32, #tpu.memory_space<vmem>>, vector<1x1x50xf32>,
    %get3A_294 = arith.constant 1 : index
    %get3A_295 = arith.constant 0 : index
    %get3A_296 = arith.constant 0 : index
    %get3A_297 = vector.load %arg4[%get3A_294, %get3A_295, %get3A_296] : memref<2x200x200xf32, #tpu.memory_space<vmem>>, vector<1x200x200xf32>
    %get3A_298 = vector.shape_cast %get3A_297 : vector<1x200x200xf32> to vector<200x200xf32>
    %get3A_299 = arith.constant 1 : index
    %get3A_300 = arith.constant 0 : index
    %get3A_301 = arith.constant 0 : index
    %get3A_302 = vector.load %arg1[%get3A_299, %get3A_300, %get3A_301] : memref<2x200x128xf32, #tpu.memory_space<vmem>>, vector<1x200x128xf32>
    %get3A_303 = vector.shape_cast %get3A_302 : vector<1x200x128xf32> to vector<200x128xf32>
    %get3A_304 = arith.constant 1 : index
    %get3A_305 = arith.constant 0 : index
    %get3A_306 = arith.constant 0 : index
    %get3A_307 = vector.load %arg2[%get3A_304, %get3A_305, %get3A_306] : memref<2x200x64xf32, #tpu.memory_space<vmem>>, vector<1x200x64xf32>
    %get3A_308 = vector.shape_cast %get3A_307 : vector<1x200x64xf32> to vector<200x64xf32>
    %get3A_309 = arith.constant 1 : index
    %get3A_310 = arith.constant 0 : index
    %get3A_311 = arith.constant 0 : index
    %get3A_312 = vector.load %arg3[%get3A_309, %get3A_310, %get3A_311] : memref<2x200x200xf32, #tpu.memory_space<vmem>>, vector<1x200x200xf32>
    %get3A_313 = vector.shape_cast %get3A_312 : vector<1x200x200xf32> to vector<200x200xf32>
    %reduce_sum3A_314 = arith.constant dense<0.000000e+00> : vector<200xf32>
    %reduce_sum3A_315 = vector.multi_reduction <add>, %get3A_298, %reduce_sum3A_314 [1] : vector<200x200xf32> to vector<200xf32>
    %broadcast_in_dim3A_316 = vector.shape_cast %reduce_sum3A_315 : vector<200xf32> to vector<200x1xf32>
    %add3A_317 = arith.constant 1.000000e+00 : f32
    %add3A_318 = vector.broadcast %add3A_317 : f32 to vector<200x1xf32>
    %add3A_319 = arith.addf %broadcast_in_dim3A_316, %add3A_318 : vector<200x1xf32>
    %rsqrt3A_320 = math.rsqrt %add3A_319 : vector<200x1xf32>
    %add3A_321 = arith.addf %get3A_298, %convert_element_type3A_1 : vector<200x200xf32>
    %mul3A_322 = vector.broadcast %rsqrt3A_320 : vector<200x1xf32> to vector<200x128xf32>
    %mul3A_323 = arith.mulf %mul3A_322, %get3A_303 : vector<200x128xf32>
    %convert_element_type3A_324 = arith.truncf %add3A_321 : vector<200x200xf32> to vector<200x200xbf16>
    %concatenate3A_325 = tpu.concatenate %convert_element_type3A_324, %convert_element_type3A_324 in 1 : vector<200x200xbf16>, vector<200x200xbf16> -> vector<200x400xbf16>
    %convert_element_type3A_326 = arith.truncf %mul3A_323 : vector<200x128xf32> to vector<200x128xbf16>
    %convert_element_type3A_327 = arith.extf %convert_element_type3A_326 : vector<200x128xbf16> to vector<200x128xf32>
    %sub3A_328 = arith.subf %mul3A_323, %convert_element_type3A_327 : vector<200x128xf32>
    %convert_element_type3A_329 = arith.truncf %sub3A_328 : vector<200x128xf32> to vector<200x128xbf16>
    %concatenate3A_330 = tpu.concatenate %convert_element_type3A_326, %convert_element_type3A_329 in 0 : vector<200x128xbf16>, vector<200x128xbf16> -> vector<400x128xbf16>
    %dot_general3A_331 = arith.constant dense<0.000000e+00> : vector<200x128xf32>
    %dot_general3A_332 = tpu.matmul %concatenate3A_325, %concatenate3A_330, %dot_general3A_331 {dimension_numbers = #tpu.dot_dimension_numbers<[1], [0], [0], [1], [0, 0, 1, 1], [], []>, transpose_lhs_hint = false} : vector<200x400xbf16>, vector<400x128xbf16>, vector<200x128xf32> -> vector<200x128xf32>
    %mul3A_333 = vector.broadcast %rsqrt3A_320 : vector<200x1xf32> to vector<200x128xf32>
    %mul3A_334 = arith.mulf %mul3A_333, %dot_general3A_332 : vector<200x128xf32>
    %get3A_335 = arith.constant 0 : index
    %get3A_336 = arith.constant 0 : index
    %get3A_337 = vector.load %arg5[%get3A_335, %get3A_336] : memref<1x128xf32, #tpu.memory_space<vmem>>, vector<1x128xf32>
    %add3A_338 = vector.broadcast %get3A_337 : vector<1x128xf32> to vector<200x128xf32>
    %add3A_339 = arith.addf %mul3A_334, %add3A_338 : vector<200x128xf32>
    %get3A_340 = arith.constant 0 : index
    %get3A_341 = arith.constant 0 : index
    %get3A_342 = vector.load %arg6[%get3A_340, %get3A_341] : memref<128x200xf32, #tpu.memory_space<vmem>>, vector<128x200xf32>
    %convert_element_type3A_343 = arith.truncf %add3A_339 : vector<200x128xf32> to vector<200x128xbf16>
    %convert_element_type3A_344 = arith.truncf %get3A_342 : vector<128x200xf32> to vector<128x200xbf16>
    %dot_general3A_345 = arith.constant dense<0.000000e+00> : vector<200x200xf32>
    %dot_general3A_346 = tpu.matmul %convert_element_type3A_343, %convert_element_type3A_344, %dot_general3A_345 {dimension_numbers = #tpu.dot_dimension_numbers<[1], [0], [0], [1], [0, 0, 1, 1], [], []>, transpose_lhs_hint = false} : vector<200x128xbf16>, vector<128x200xbf16>, vector<200x200xf32> -> vector<200x200xf32>
    %mul3A_347 = vector.broadcast %rsqrt3A_320 : vector<200x1xf32> to vector<200x200xf32>
    %mul3A_348 = arith.mulf %mul3A_347, %dot_general3A_346 : vector<200x200xf32>
    %convert_element_type3A_349 = arith.truncf %add3A_321 : vector<200x200xf32> to vector<200x200xbf16>
    %concatenate3A_350 = tpu.concatenate %convert_element_type3A_349, %convert_element_type3A_349 in 1 : vector<200x200xbf16>, vector<200x200xbf16> -> vector<200x400xbf16>
    %convert_element_type3A_351 = arith.truncf %mul3A_348 : vector<200x200xf32> to vector<200x200xbf16>
    %convert_element_type3A_352 = arith.extf %convert_element_type3A_351 : vector<200x200xbf16> to vector<200x200xf32>
    %sub3A_353 = arith.subf %mul3A_348, %convert_element_type3A_352 : vector<200x200xf32>
    %convert_element_type3A_354 = arith.truncf %sub3A_353 : vector<200x200xf32> to vector<200x200xbf16>
    %concatenate3A_355 = tpu.concatenate %convert_element_type3A_351, %convert_element_type3A_354 in 0 : vector<200x200xbf16>, vector<200x200xbf16> -> vector<400x200xbf16>
    %dot_general3A_356 = arith.constant dense<0.000000e+00> : vector<200x200xf32>
    %dot_general3A_357 = tpu.matmul %concatenate3A_350, %concatenate3A_355, %dot_general3A_356 {dimension_numbers = #tpu.dot_dimension_numbers<[1], [0], [0], [1], [0, 0, 1, 1], [], []>, transpose_lhs_hint = false} : vector<200x400xbf16>, vector<400x200xbf16>, vector<200x200xf32> -> vector<200x200xf32>
    %mul3A_358 = vector.broadcast %rsqrt3A_320 : vector<200x1xf32> to vector<200x200xf32>
    %mul3A_359 = arith.mulf %mul3A_358, %dot_general3A_357 : vector<200x200xf32>
    %get3A_360 = arith.constant 0 : index
    %get3A_361 = arith.constant 0 : index
    %get3A_362 = vector.load %arg7[%get3A_360, %get3A_361] : memref<1x200xf32, #tpu.memory_space<vmem>>, vector<1x200xf32>
    %add3A_363 = vector.broadcast %get3A_362 : vector<1x200xf32> to vector<200x200xf32>
    %add3A_364 = arith.addf %mul3A_359, %add3A_363 : vector<200x200xf32>
    %max3A_365 = arith.constant 0.000000e+00 : f32
    %max3A_366 = vector.broadcast %max3A_365 : f32 to vector<200x200xf32>
    %max3A_367 = arith.maximumf %add3A_364, %max3A_366 : vector<200x200xf32>
    %get3A_368 = arith.constant 0 : index
    %get3A_369 = arith.constant 0 : index
    %get3A_370 = vector.load %arg8[%get3A_368, %get3A_369] : memref<128x200xf32, #tpu.memory_space<vmem>>, vector<128x200xf32>
    %convert_element_type3A_371 = arith.truncf %add3A_339 : vector<200x128xf32> to vector<200x128xbf16>
    %convert_element_type3A_372 = arith.truncf %get3A_370 : vector<128x200xf32> to vector<128x200xbf16>
    %dot_general3A_373 = arith.constant dense<0.000000e+00> : vector<200x200xf32>
    %dot_general3A_374 = tpu.matmul %convert_element_type3A_371, %convert_element_type3A_372, %dot_general3A_373 {dimension_numbers = #tpu.dot_dimension_numbers<[1], [0], [0], [1], [0, 0, 1, 1], [], []>, transpose_lhs_hint = false} : vector<200x128xbf16>, vector<128x200xbf16>, vector<200x200xf32> -> vector<200x200xf32>
    %mul3A_375 = vector.broadcast %rsqrt3A_320 : vector<200x1xf32> to vector<200x200xf32>
    %mul3A_376 = arith.mulf %mul3A_375, %dot_general3A_374 : vector<200x200xf32>
    %convert_element_type3A_377 = arith.truncf %add3A_321 : vector<200x200xf32> to vector<200x200xbf16>
    %concatenate3A_378 = tpu.concatenate %convert_element_type3A_377, %convert_element_type3A_377 in 1 : vector<200x200xbf16>, vector<200x200xbf16> -> vector<200x400xbf16>
    %convert_element_type3A_379 = arith.truncf %mul3A_376 : vector<200x200xf32> to vector<200x200xbf16>
    %convert_element_type3A_380 = arith.extf %convert_element_type3A_379 : vector<200x200xbf16> to vector<200x200xf32>
    %sub3A_381 = arith.subf %mul3A_376, %convert_element_type3A_380 : vector<200x200xf32>
    %convert_element_type3A_382 = arith.truncf %sub3A_381 : vector<200x200xf32> to vector<200x200xbf16>
    %concatenate3A_383 = tpu.concatenate %convert_element_type3A_379, %convert_element_type3A_382 in 0 : vector<200x200xbf16>, vector<200x200xbf16> -> vector<400x200xbf16>
    %dot_general3A_384 = arith.constant dense<0.000000e+00> : vector<200x200xf32>
    %dot_general3A_385 = tpu.matmul %concatenate3A_378, %concatenate3A_383, %dot_general3A_384 {dimension_numbers = #tpu.dot_dimension_numbers<[1], [0], [0], [1], [0, 0, 1, 1], [], []>, transpose_lhs_hint = false} : vector<200x400xbf16>, vector<400x200xbf16>, vector<200x200xf32> -> vector<200x200xf32>
    %mul3A_386 = vector.broadcast %rsqrt3A_320 : vector<200x1xf32> to vector<200x200xf32>
    %mul3A_387 = arith.mulf %mul3A_386, %dot_general3A_385 : vector<200x200xf32>
    %get3A_388 = arith.constant 0 : index
    %get3A_389 = arith.constant 0 : index
    %get3A_390 = vector.load %arg9[%get3A_388, %get3A_389] : memref<1x200xf32, #tpu.memory_space<vmem>>, vector<1x200xf32>
    %add3A_391 = vector.broadcast %get3A_390 : vector<1x200xf32> to vector<200x200xf32>
    %add3A_392 = arith.addf %mul3A_387, %add3A_391 : vector<200x200xf32>
    %max3A_393 = arith.constant 0.000000e+00 : f32
    %max3A_394 = vector.broadcast %max3A_393 : f32 to vector<200x200xf32>
    %max3A_395 = arith.maximumf %add3A_392, %max3A_394 : vector<200x200xf32>
    %exp3A_396 = math.exp %max3A_395 : vector<200x200xf32>
    %mul3A_397 = arith.mulf %get3A_313, %exp3A_396 : vector<200x200xf32>
    %add3A_398 = arith.addf %max3A_367, %mul3A_397 : vector<200x200xf32>
    %convert_element_type3A_399 = arith.truncf %add3A_398 : vector<200x200xf32> to vector<200x200xbf16>
    %dot_general3A_400 = arith.constant dense<0.000000e+00> : vector<200x200xf32>
    %dot_general3A_401 = tpu.matmul %convert_element_type3A_399, %convert_element_type3A_399, %dot_general3A_400 {dimension_numbers = #tpu.dot_dimension_numbers<[1], [1], [0], [0], [0, 0, 1, 0], [], []>, transpose_lhs_hint = false} : vector<200x200xbf16>, vector<200x200xbf16>, vector<200x200xf32> -> vector<200x200xf32>
    %swap3A_402 = arith.constant 1 : index
    %swap3A_403 = arith.constant 0 : index
    %swap3A_404 = arith.constant 0 : index
    %swap3A_405 = vector.load %arg15[%swap3A_402, %swap3A_403, %swap3A_404] : memref<2x200x200xf32, #tpu.memory_space<vmem>>, vector<1x200x200xf32>
    %swap3A_406 = vector.shape_cast %swap3A_405 : vector<1x200x200xf32> to vector<200x200xf32>
    %swap3A_407 = vector.shape_cast %dot_general3A_401 : vector<200x200xf32> to vector<1x200x200xf32>
    tpu.vector_store %arg15[%swap3A_402, %swap3A_403, %swap3A_404], %swap3A_407 {strides = array<i32>} : memref<2x200x200xf32, #tpu.memory_space<vmem>>, vector<1x200x200xf32>,
    %dot_general3A_408 = arith.constant dense<0.000000e+00> : vector<200x64xf32>
    %dot_general3A_409 = tpu.matmul %get3A_298, %get3A_308, %dot_general3A_408 {dimension_numbers = #tpu.dot_dimension_numbers<[1], [0], [0], [1], [0, 0, 1, 1], [], []>, precision = #tpu.contract_precision<fp32>, transpose_lhs_hint = false} : vector<200x200xf32>, vector<200x64xf32>, vector<200x64xf32> -> vector<200x64xf32>
    %get3A_410 = arith.constant 0 : index
    %get3A_411 = arith.constant 0 : index
    %get3A_412 = vector.load %arg10[%get3A_410, %get3A_411] : memref<1x64xf32, #tpu.memory_space<vmem>>, vector<1x64xf32>
    %add3A_413 = vector.broadcast %get3A_412 : vector<1x64xf32> to vector<200x64xf32>
    %add3A_414 = arith.addf %dot_general3A_409, %add3A_413 : vector<200x64xf32>
    %max3A_415 = arith.constant 0.000000e+00 : f32
    %max3A_416 = vector.broadcast %max3A_415 : f32 to vector<200x64xf32>
    %max3A_417 = arith.maximumf %add3A_414, %max3A_416 : vector<200x64xf32>
    %get3A_418 = arith.constant 0 : index
    %get3A_419 = arith.constant 0 : index
    %get3A_420 = vector.load %arg11[%get3A_418, %get3A_419] : memref<1x64xf32, #tpu.memory_space<vmem>>, vector<1x64xf32>
    %mul3A_421 = arith.mulf %get3A_420, %get3A_420 : vector<1x64xf32>
    %reduce_sum3A_422 = vector.shape_cast %mul3A_421 : vector<1x64xf32> to vector<1x1x64xf32>
    %reduce_sum3A_423 = arith.constant dense<0.000000e+00> : vector<1xf32>
    %reduce_sum3A_424 = vector.multi_reduction <add>, %reduce_sum3A_422, %reduce_sum3A_423 [1, 2] : vector<1x1x64xf32> to vector<1xf32>
    %reduce_sum3A_425 = vector.shape_cast %reduce_sum3A_424 : vector<1xf32> to vector<1x1x1xf32>
    %reduce_sum3A_426 = vector.extract %reduce_sum3A_425[0, 0, 0] : f32 from vector<1x1x1xf32>
    %sqrt3A_427 = math.sqrt %reduce_sum3A_426 : f32
    %transpose3A_428 = tpu.transpose %get3A_420, [1, 0] : vector<1x64xf32> -> vector<64x1xf32>
    %convert_element_type3A_429 = arith.truncf %max3A_417 : vector<200x64xf32> to vector<200x64xbf16>
    %convert_element_type3A_430 = arith.truncf %transpose3A_428 : vector<64x1xf32> to vector<64x1xbf16>
    %dot_general3A_431 = arith.constant dense<0.000000e+00> : vector<200x1xf32>
    %dot_general3A_432 = tpu.matmul %convert_element_type3A_429, %convert_element_type3A_430, %dot_general3A_431 {dimension_numbers = #tpu.dot_dimension_numbers<[1], [0], [0], [1], [0, 0, 1, 1], [], []>, transpose_lhs_hint = false} : vector<200x64xbf16>, vector<64x1xbf16>, vector<200x1xf32> -> vector<200x1xf32>
    %div3A_433 = vector.broadcast %sqrt3A_427 : f32 to vector<200x1xf32>
    %div3A_434 = arith.divf %dot_general3A_432, %div3A_433 : vector<200x1xf32>
    %tanh3A_435 = math.tanh %div3A_434 : vector<200x1xf32>
    %transpose3A_436 = tpu.transpose %dot_general3A_432, [1, 0] : vector<200x1xf32> -> vector<1x200xf32>
    %iota3A_437 = tpu.iota {dimensions = array<i32: 0>} : vector<200x200xi32>
    %iota3A_438 = tpu.iota {dimensions = array<i32: 1>} : vector<200x200xi32>
    %gt3A_439 = vector.broadcast %dot_general3A_432 : vector<200x1xf32> to vector<200x200xf32>
    %gt3A_440 = vector.broadcast %transpose3A_436 : vector<1x200xf32> to vector<200x200xf32>
    %gt3A_441 = arith.cmpf ogt, %gt3A_439, %gt3A_440 : vector<200x200xf32>
    %eq3A_442 = vector.broadcast %dot_general3A_432 : vector<200x1xf32> to vector<200x200xf32>
    %eq3A_443 = vector.broadcast %transpose3A_436 : vector<1x200xf32> to vector<200x200xf32>
    %eq3A_444 = arith.cmpf oeq, %eq3A_442, %eq3A_443 : vector<200x200xf32>
    %lt3A_445 = arith.cmpi slt, %iota3A_437, %iota3A_438 : vector<200x200xi32>
    %and3A_446 = arith.andi %eq3A_444, %lt3A_445 : vector<200x200xi1>
    %or3A_447 = arith.ori %gt3A_441, %and3A_446 : vector<200x200xi1>
    %convert_element_type3A_448 = arith.extui %or3A_447 : vector<200x200xi1> to vector<200x200xi32>
    %convert_element_type3A_449 = arith.sitofp %convert_element_type3A_448 : vector<200x200xi32> to vector<200x200xf32>
    %reduce_sum3A_450 = arith.constant dense<0.000000e+00> : vector<200xf32>
    %reduce_sum3A_451 = vector.multi_reduction <add>, %convert_element_type3A_449, %reduce_sum3A_450 [0] : vector<200x200xf32> to vector<200xf32>
    %broadcast_in_dim3A_452 = vector.shape_cast %reduce_sum3A_451 : vector<200xf32> to vector<1x200xf32>
    %gt3A_453 = vector.broadcast %transpose3A_436 : vector<1x200xf32> to vector<200x200xf32>
    %gt3A_454 = vector.broadcast %dot_general3A_432 : vector<200x1xf32> to vector<200x200xf32>
    %gt3A_455 = arith.cmpf ogt, %gt3A_453, %gt3A_454 : vector<200x200xf32>
    %eq3A_456 = vector.broadcast %transpose3A_436 : vector<1x200xf32> to vector<200x200xf32>
    %eq3A_457 = vector.broadcast %dot_general3A_432 : vector<200x1xf32> to vector<200x200xf32>
    %eq3A_458 = arith.cmpf oeq, %eq3A_456, %eq3A_457 : vector<200x200xf32>
    %lt3A_459 = arith.cmpi slt, %iota3A_438, %iota3A_437 : vector<200x200xi32>
    %and3A_460 = arith.andi %eq3A_458, %lt3A_459 : vector<200x200xi1>
    %or3A_461 = arith.ori %gt3A_455, %and3A_460 : vector<200x200xi1>
    %convert_element_type3A_462 = arith.extui %or3A_461 : vector<200x200xi1> to vector<200x200xi32>
    %convert_element_type3A_463 = arith.sitofp %convert_element_type3A_462 : vector<200x200xi32> to vector<200x200xf32>
    %reduce_sum3A_464 = arith.constant dense<0.000000e+00> : vector<200xf32>
    %reduce_sum3A_465 = vector.multi_reduction <add>, %convert_element_type3A_463, %reduce_sum3A_464 [1] : vector<200x200xf32> to vector<200xf32>
    %broadcast_in_dim3A_466 = vector.shape_cast %reduce_sum3A_465 : vector<200xf32> to vector<200x1xf32>
    %iota3A_467 = tpu.iota {dimensions = array<i32: 0>} : vector<100x200xi32>
    %convert_element_type3A_468 = arith.sitofp %iota3A_467 : vector<100x200xi32> to vector<100x200xf32>
    %eq3A_469 = vector.broadcast %broadcast_in_dim3A_452 : vector<1x200xf32> to vector<100x200xf32>
    %eq3A_470 = arith.cmpf oeq, %eq3A_469, %convert_element_type3A_468 : vector<100x200xf32>
    %convert_element_type3A_471 = arith.extui %eq3A_470 : vector<100x200xi1> to vector<100x200xi32>
    %convert_element_type3A_472 = arith.sitofp %convert_element_type3A_471 : vector<100x200xi32> to vector<100x200xf32>
    %iota3A_473 = tpu.iota {dimensions = array<i32: 1>} : vector<200x100xi32>
    %convert_element_type3A_474 = arith.sitofp %iota3A_473 : vector<200x100xi32> to vector<200x100xf32>
    %eq3A_475 = vector.broadcast %broadcast_in_dim3A_466 : vector<200x1xf32> to vector<200x100xf32>
    %eq3A_476 = arith.cmpf oeq, %eq3A_475, %convert_element_type3A_474 : vector<200x100xf32>
    %convert_element_type3A_477 = arith.extui %eq3A_476 : vector<200x100xi1> to vector<200x100xi32>
    %convert_element_type3A_478 = arith.sitofp %convert_element_type3A_477 : vector<200x100xi32> to vector<200x100xf32>
    %dot_general3A_479 = arith.constant dense<0.000000e+00> : vector<100x1xf32>
    %dot_general3A_480 = tpu.matmul %convert_element_type3A_472, %tanh3A_435, %dot_general3A_479 {dimension_numbers = #tpu.dot_dimension_numbers<[1], [0], [0], [1], [0, 0, 1, 1], [], []>, precision = #tpu.contract_precision<fp32>, transpose_lhs_hint = false} : vector<100x200xf32>, vector<200x1xf32>, vector<100x1xf32> -> vector<100x1xf32>
    %transpose3A_481 = tpu.transpose %dot_general3A_480, [1, 0] : vector<100x1xf32> -> vector<1x100xf32>
    %dot_general3A_482 = arith.constant dense<0.000000e+00> : vector<100x64xf32>
    %dot_general3A_483 = tpu.matmul %convert_element_type3A_472, %max3A_417, %dot_general3A_482 {dimension_numbers = #tpu.dot_dimension_numbers<[1], [0], [0], [1], [0, 0, 1, 1], [], []>, precision = #tpu.contract_precision<fp32>, transpose_lhs_hint = false} : vector<100x200xf32>, vector<200x64xf32>, vector<100x64xf32> -> vector<100x64xf32>
    %mul3A_484 = vector.broadcast %dot_general3A_480 : vector<100x1xf32> to vector<100x64xf32>
    %mul3A_485 = arith.mulf %dot_general3A_483, %mul3A_484 : vector<100x64xf32>
    %convert_element_type3A_486 = arith.truncf %convert_element_type3A_472 : vector<100x200xf32> to vector<100x200xbf16>
    %convert_element_type3A_487 = arith.truncf %get3A_298 : vector<200x200xf32> to vector<200x200xbf16>
    %dot_general3A_488 = arith.constant dense<0.000000e+00> : vector<100x200xf32>
    %dot_general3A_489 = tpu.matmul %convert_element_type3A_486, %convert_element_type3A_487, %dot_general3A_488 {dimension_numbers = #tpu.dot_dimension_numbers<[1], [0], [0], [1], [0, 0, 1, 1], [], []>, transpose_lhs_hint = false} : vector<100x200xbf16>, vector<200x200xbf16>, vector<100x200xf32> -> vector<100x200xf32>
    %convert_element_type3A_490 = arith.truncf %dot_general3A_489 : vector<100x200xf32> to vector<100x200xbf16>
    %convert_element_type3A_491 = arith.truncf %convert_element_type3A_478 : vector<200x100xf32> to vector<200x100xbf16>
    %dot_general3A_492 = arith.constant dense<0.000000e+00> : vector<100x100xf32>
    %dot_general3A_493 = tpu.matmul %convert_element_type3A_490, %convert_element_type3A_491, %dot_general3A_492 {dimension_numbers = #tpu.dot_dimension_numbers<[1], [0], [0], [1], [0, 0, 1, 1], [], []>, transpose_lhs_hint = false} : vector<100x200xbf16>, vector<200x100xbf16>, vector<100x100xf32> -> vector<100x100xf32>
    %reduce_max3A_494 = arith.constant dense<0xFF800000> : vector<64xf32>
    %reduce_max3A_495 = vector.multi_reduction <maximumf>, %mul3A_485, %reduce_max3A_494 [0] : vector<100x64xf32> to vector<64xf32>
    %broadcast_in_dim3A_496 = vector.shape_cast %reduce_max3A_495 : vector<64xf32> to vector<1x64xf32>
    %reduce_sum3A_497 = arith.constant dense<0.000000e+00> : vector<64xf32>
    %reduce_sum3A_498 = vector.multi_reduction <add>, %mul3A_485, %reduce_sum3A_497 [0] : vector<100x64xf32> to vector<64xf32>
    %broadcast_in_dim3A_499 = vector.shape_cast %reduce_sum3A_498 : vector<64xf32> to vector<1x64xf32>
    %div3A_500 = arith.constant 1.000000e+02 : f32
    %div3A_501 = vector.broadcast %div3A_500 : f32 to vector<1x64xf32>
    %div3A_502 = arith.divf %broadcast_in_dim3A_499, %div3A_501 : vector<1x64xf32>
    %get3A_503 = arith.constant 0 : index
    %get3A_504 = arith.constant 0 : index
    %get3A_505 = vector.load %arg12[%get3A_503, %get3A_504] : memref<64x64xf32, #tpu.memory_space<vmem>>, vector<64x64xf32>
    %convert_element_type3A_506 = arith.truncf %mul3A_485 : vector<100x64xf32> to vector<100x64xbf16>
    %convert_element_type3A_507 = arith.truncf %get3A_505 : vector<64x64xf32> to vector<64x64xbf16>
    %dot_general3A_508 = arith.constant dense<0.000000e+00> : vector<100x64xf32>
    %dot_general3A_509 = tpu.matmul %convert_element_type3A_506, %convert_element_type3A_507, %dot_general3A_508 {dimension_numbers = #tpu.dot_dimension_numbers<[1], [0], [0], [1], [0, 0, 1, 1], [], []>, transpose_lhs_hint = false} : vector<100x64xbf16>, vector<64x64xbf16>, vector<100x64xf32> -> vector<100x64xf32>
    %dot_general3A_510 = arith.constant dense<0.000000e+00> : vector<100x64xf32>
    %dot_general3A_511 = tpu.matmul %dot_general3A_493, %dot_general3A_509, %dot_general3A_510 {dimension_numbers = #tpu.dot_dimension_numbers<[1], [0], [0], [1], [0, 0, 1, 1], [], []>, precision = #tpu.contract_precision<fp32>, transpose_lhs_hint = false} : vector<100x100xf32>, vector<100x64xf32>, vector<100x64xf32> -> vector<100x64xf32>
    %get3A_512 = arith.constant 0 : index
    %get3A_513 = arith.constant 0 : index
    %get3A_514 = vector.load %arg13[%get3A_512, %get3A_513] : memref<1x64xf32, #tpu.memory_space<vmem>>, vector<1x64xf32>
    %add3A_515 = vector.broadcast %get3A_514 : vector<1x64xf32> to vector<100x64xf32>
    %add3A_516 = arith.addf %dot_general3A_511, %add3A_515 : vector<100x64xf32>
    %max3A_517 = arith.constant 0.000000e+00 : f32
    %max3A_518 = vector.broadcast %max3A_517 : f32 to vector<100x64xf32>
    %max3A_519 = arith.maximumf %add3A_516, %max3A_518 : vector<100x64xf32>
    %get3A_520 = arith.constant 0 : index
    %get3A_521 = arith.constant 0 : index
    %get3A_522 = vector.load %arg14[%get3A_520, %get3A_521] : memref<1x64xf32, #tpu.memory_space<vmem>>, vector<1x64xf32>
    %mul3A_523 = arith.mulf %get3A_522, %get3A_522 : vector<1x64xf32>
    %reduce_sum3A_524 = vector.shape_cast %mul3A_523 : vector<1x64xf32> to vector<1x1x64xf32>
    %reduce_sum3A_525 = arith.constant dense<0.000000e+00> : vector<1xf32>
    %reduce_sum3A_526 = vector.multi_reduction <add>, %reduce_sum3A_524, %reduce_sum3A_525 [1, 2] : vector<1x1x64xf32> to vector<1xf32>
    %reduce_sum3A_527 = vector.shape_cast %reduce_sum3A_526 : vector<1xf32> to vector<1x1x1xf32>
    %reduce_sum3A_528 = vector.extract %reduce_sum3A_527[0, 0, 0] : f32 from vector<1x1x1xf32>
    %sqrt3A_529 = math.sqrt %reduce_sum3A_528 : f32
    %transpose3A_530 = tpu.transpose %get3A_522, [1, 0] : vector<1x64xf32> -> vector<64x1xf32>
    %convert_element_type3A_531 = arith.truncf %max3A_519 : vector<100x64xf32> to vector<100x64xbf16>
    %convert_element_type3A_532 = arith.truncf %transpose3A_530 : vector<64x1xf32> to vector<64x1xbf16>
    %dot_general3A_533 = arith.constant dense<0.000000e+00> : vector<100x1xf32>
    %dot_general3A_534 = tpu.matmul %convert_element_type3A_531, %convert_element_type3A_532, %dot_general3A_533 {dimension_numbers = #tpu.dot_dimension_numbers<[1], [0], [0], [1], [0, 0, 1, 1], [], []>, transpose_lhs_hint = false} : vector<100x64xbf16>, vector<64x1xbf16>, vector<100x1xf32> -> vector<100x1xf32>
    %div3A_535 = vector.broadcast %sqrt3A_529 : f32 to vector<100x1xf32>
    %div3A_536 = arith.divf %dot_general3A_534, %div3A_535 : vector<100x1xf32>
    %tanh3A_537 = math.tanh %div3A_536 : vector<100x1xf32>
    %transpose3A_538 = tpu.transpose %dot_general3A_534, [1, 0] : vector<100x1xf32> -> vector<1x100xf32>
    %iota3A_539 = tpu.iota {dimensions = array<i32: 0>} : vector<100x100xi32>
    %iota3A_540 = tpu.iota {dimensions = array<i32: 1>} : vector<100x100xi32>
    %gt3A_541 = vector.broadcast %dot_general3A_534 : vector<100x1xf32> to vector<100x100xf32>
    %gt3A_542 = vector.broadcast %transpose3A_538 : vector<1x100xf32> to vector<100x100xf32>
    %gt3A_543 = arith.cmpf ogt, %gt3A_541, %gt3A_542 : vector<100x100xf32>
    %eq3A_544 = vector.broadcast %dot_general3A_534 : vector<100x1xf32> to vector<100x100xf32>
    %eq3A_545 = vector.broadcast %transpose3A_538 : vector<1x100xf32> to vector<100x100xf32>
    %eq3A_546 = arith.cmpf oeq, %eq3A_544, %eq3A_545 : vector<100x100xf32>
    %lt3A_547 = arith.cmpi slt, %iota3A_539, %iota3A_540 : vector<100x100xi32>
    %and3A_548 = arith.andi %eq3A_546, %lt3A_547 : vector<100x100xi1>
    %or3A_549 = arith.ori %gt3A_543, %and3A_548 : vector<100x100xi1>
    %convert_element_type3A_550 = arith.extui %or3A_549 : vector<100x100xi1> to vector<100x100xi32>
    %convert_element_type3A_551 = arith.sitofp %convert_element_type3A_550 : vector<100x100xi32> to vector<100x100xf32>
    %reduce_sum3A_552 = arith.constant dense<0.000000e+00> : vector<100xf32>
    %reduce_sum3A_553 = vector.multi_reduction <add>, %convert_element_type3A_551, %reduce_sum3A_552 [0] : vector<100x100xf32> to vector<100xf32>
    %broadcast_in_dim3A_554 = vector.shape_cast %reduce_sum3A_553 : vector<100xf32> to vector<1x100xf32>
    %iota3A_555 = tpu.iota {dimensions = array<i32: 0>} : vector<50x100xi32>
    %convert_element_type3A_556 = arith.sitofp %iota3A_555 : vector<50x100xi32> to vector<50x100xf32>
    %eq3A_557 = vector.broadcast %broadcast_in_dim3A_554 : vector<1x100xf32> to vector<50x100xf32>
    %eq3A_558 = arith.cmpf oeq, %eq3A_557, %convert_element_type3A_556 : vector<50x100xf32>
    %convert_element_type3A_559 = arith.extui %eq3A_558 : vector<50x100xi1> to vector<50x100xi32>
    %convert_element_type3A_560 = arith.sitofp %convert_element_type3A_559 : vector<50x100xi32> to vector<50x100xf32>
    %dot_general3A_561 = arith.constant dense<0.000000e+00> : vector<50x1xf32>
    %dot_general3A_562 = tpu.matmul %convert_element_type3A_560, %tanh3A_537, %dot_general3A_561 {dimension_numbers = #tpu.dot_dimension_numbers<[1], [0], [0], [1], [0, 0, 1, 1], [], []>, precision = #tpu.contract_precision<fp32>, transpose_lhs_hint = false} : vector<50x100xf32>, vector<100x1xf32>, vector<50x1xf32> -> vector<50x1xf32>
    %transpose3A_563 = tpu.transpose %dot_general3A_562, [1, 0] : vector<50x1xf32> -> vector<1x50xf32>
    %dot_general3A_564 = arith.constant dense<0.000000e+00> : vector<50x64xf32>
    %dot_general3A_565 = tpu.matmul %convert_element_type3A_560, %max3A_519, %dot_general3A_564 {dimension_numbers = #tpu.dot_dimension_numbers<[1], [0], [0], [1], [0, 0, 1, 1], [], []>, precision = #tpu.contract_precision<fp32>, transpose_lhs_hint = false} : vector<50x100xf32>, vector<100x64xf32>, vector<50x64xf32> -> vector<50x64xf32>
    %mul3A_566 = vector.broadcast %dot_general3A_562 : vector<50x1xf32> to vector<50x64xf32>
    %mul3A_567 = arith.mulf %dot_general3A_565, %mul3A_566 : vector<50x64xf32>
    %reduce_max3A_568 = arith.constant dense<0xFF800000> : vector<64xf32>
    %reduce_max3A_569 = vector.multi_reduction <maximumf>, %mul3A_567, %reduce_max3A_568 [0] : vector<50x64xf32> to vector<64xf32>
    %broadcast_in_dim3A_570 = vector.shape_cast %reduce_max3A_569 : vector<64xf32> to vector<1x64xf32>
    %reduce_sum3A_571 = arith.constant dense<0.000000e+00> : vector<64xf32>
    %reduce_sum3A_572 = vector.multi_reduction <add>, %mul3A_567, %reduce_sum3A_571 [0] : vector<50x64xf32> to vector<64xf32>
    %broadcast_in_dim3A_573 = vector.shape_cast %reduce_sum3A_572 : vector<64xf32> to vector<1x64xf32>
    %div3A_574 = arith.constant 5.000000e+01 : f32
    %div3A_575 = vector.broadcast %div3A_574 : f32 to vector<1x64xf32>
    %div3A_576 = arith.divf %broadcast_in_dim3A_573, %div3A_575 : vector<1x64xf32>
    %concatenate3A_577 = tpu.concatenate %broadcast_in_dim3A_496, %div3A_502, %broadcast_in_dim3A_570, %div3A_576 in 1 : vector<1x64xf32>, vector<1x64xf32>, vector<1x64xf32>, vector<1x64xf32> -> vector<1x256xf32>
    %swap3A_578 = arith.constant 1 : index
    %swap3A_579 = arith.constant 0 : index
    %swap3A_580 = arith.constant 0 : index
    %swap3A_581 = vector.load %arg16[%swap3A_578, %swap3A_579, %swap3A_580] : memref<2x1x256xf32, #tpu.memory_space<vmem>>, vector<1x1x256xf32>
    %swap3A_582 = vector.shape_cast %swap3A_581 : vector<1x1x256xf32> to vector<1x256xf32>
    %swap3A_583 = vector.shape_cast %concatenate3A_577 : vector<1x256xf32> to vector<1x1x256xf32>
    tpu.vector_store %arg16[%swap3A_578, %swap3A_579, %swap3A_580], %swap3A_583 {strides = array<i32>} : memref<2x1x256xf32, #tpu.memory_space<vmem>>, vector<1x1x256xf32>,
    %logistic3A_584 = arith.negf %transpose3A_481 : vector<1x100xf32>
    %logistic3A_585 = math.exp %logistic3A_584 : vector<1x100xf32>
    %logistic3A_586 = arith.constant 1.000000e+00 : f32
    %logistic3A_587 = vector.broadcast %logistic3A_586 : f32 to vector<1x100xf32>
    %logistic3A_588 = arith.addf %logistic3A_587, %logistic3A_585 : vector<1x100xf32>
    %logistic3A_589 = arith.divf %logistic3A_587, %logistic3A_588 : vector<1x100xf32>
    %swap3A_590 = arith.constant 1 : index
    %swap3A_591 = arith.constant 0 : index
    %swap3A_592 = arith.constant 0 : index
    %swap3A_593 = vector.load %arg17[%swap3A_590, %swap3A_591, %swap3A_592] : memref<2x1x100xf32, #tpu.memory_space<vmem>>, vector<1x1x100xf32>
    %swap3A_594 = vector.shape_cast %swap3A_593 : vector<1x1x100xf32> to vector<1x100xf32>
    %swap3A_595 = vector.shape_cast %logistic3A_589 : vector<1x100xf32> to vector<1x1x100xf32>
    tpu.vector_store %arg17[%swap3A_590, %swap3A_591, %swap3A_592], %swap3A_595 {strides = array<i32>} : memref<2x1x100xf32, #tpu.memory_space<vmem>>, vector<1x1x100xf32>,
    %logistic3A_596 = arith.negf %transpose3A_563 : vector<1x50xf32>
    %logistic3A_597 = math.exp %logistic3A_596 : vector<1x50xf32>
    %logistic3A_598 = arith.constant 1.000000e+00 : f32
    %logistic3A_599 = vector.broadcast %logistic3A_598 : f32 to vector<1x50xf32>
    %logistic3A_600 = arith.addf %logistic3A_599, %logistic3A_597 : vector<1x50xf32>
    %logistic3A_601 = arith.divf %logistic3A_599, %logistic3A_600 : vector<1x50xf32>
    %swap3A_602 = arith.constant 1 : index
    %swap3A_603 = arith.constant 0 : index
    %swap3A_604 = arith.constant 0 : index
    %swap3A_605 = vector.load %arg18[%swap3A_602, %swap3A_603, %swap3A_604] : memref<2x1x50xf32, #tpu.memory_space<vmem>>, vector<1x1x50xf32>
    %swap3A_606 = vector.shape_cast %swap3A_605 : vector<1x1x50xf32> to vector<1x50xf32>
    %swap3A_607 = vector.shape_cast %logistic3A_601 : vector<1x50xf32> to vector<1x1x50xf32>
    tpu.vector_store %arg18[%swap3A_602, %swap3A_603, %swap3A_604], %swap3A_607 {strides = array<i32>} : memref<2x1x50xf32, #tpu.memory_space<vmem>>, vector<1x1x50xf32>,
    return
  }
  func.func @transform_0(%arg0: i32) -> (i32, i32, i32) {
    %c0_i32 = arith.constant 0 : i32
    %c0_i32_0 = arith.constant 0 : i32
    %c0_i32_1 = arith.constant 0 : i32
    return %arg0, %c0_i32, %c0_i32_0 : i32, i32, i32
  }
  func.func @transform_1(%arg0: i32) -> (i32, i32, i32) {
    %c0_i32 = arith.constant 0 : i32
    %c0_i32_0 = arith.constant 0 : i32
    %c0_i32_1 = arith.constant 0 : i32
    return %arg0, %c0_i32, %c0_i32_0 : i32, i32, i32
  }
  func.func @transform_2(%arg0: i32) -> (i32, i32, i32) {
    %c0_i32 = arith.constant 0 : i32
    %c0_i32_0 = arith.constant 0 : i32
    %c0_i32_1 = arith.constant 0 : i32
    return %arg0, %c0_i32, %c0_i32_0 : i32, i32, i32
  }
  func.func @transform_3(%arg0: i32) -> (i32, i32, i32) {
    %c0_i32 = arith.constant 0 : i32
    %c0_i32_0 = arith.constant 0 : i32
    %c0_i32_1 = arith.constant 0 : i32
    return %arg0, %c0_i32, %c0_i32_0 : i32, i32, i32
  }
  func.func @transform_4(%arg0: i32) -> (i32, i32) {
    %c0_i32 = arith.constant 0 : i32
    %c0_i32_0 = arith.constant 0 : i32
    %c0_i32_1 = arith.constant 0 : i32
    return %c0_i32, %c0_i32_0 : i32, i32
  }
  func.func @transform_5(%arg0: i32) -> (i32, i32) {
    %c0_i32 = arith.constant 0 : i32
    %c0_i32_0 = arith.constant 0 : i32
    %c0_i32_1 = arith.constant 0 : i32
    return %c0_i32, %c0_i32_0 : i32, i32
  }
  func.func @transform_6(%arg0: i32) -> (i32, i32) {
    %c0_i32 = arith.constant 0 : i32
    %c0_i32_0 = arith.constant 0 : i32
    %c0_i32_1 = arith.constant 0 : i32
    return %c0_i32, %c0_i32_0 : i32, i32
  }
  func.func @transform_7(%arg0: i32) -> (i32, i32) {
    %c0_i32 = arith.constant 0 : i32
    %c0_i32_0 = arith.constant 0 : i32
    %c0_i32_1 = arith.constant 0 : i32
    return %c0_i32, %c0_i32_0 : i32, i32
  }
  func.func @transform_8(%arg0: i32) -> (i32, i32) {
    %c0_i32 = arith.constant 0 : i32
    %c0_i32_0 = arith.constant 0 : i32
    %c0_i32_1 = arith.constant 0 : i32
    return %c0_i32, %c0_i32_0 : i32, i32
  }
  func.func @transform_9(%arg0: i32) -> (i32, i32) {
    %c0_i32 = arith.constant 0 : i32
    %c0_i32_0 = arith.constant 0 : i32
    %c0_i32_1 = arith.constant 0 : i32
    return %c0_i32, %c0_i32_0 : i32, i32
  }
  func.func @transform_10(%arg0: i32) -> (i32, i32) {
    %c0_i32 = arith.constant 0 : i32
    %c0_i32_0 = arith.constant 0 : i32
    %c0_i32_1 = arith.constant 0 : i32
    return %c0_i32, %c0_i32_0 : i32, i32
  }
  func.func @transform_11(%arg0: i32) -> (i32, i32) {
    %c0_i32 = arith.constant 0 : i32
    %c0_i32_0 = arith.constant 0 : i32
    %c0_i32_1 = arith.constant 0 : i32
    return %c0_i32, %c0_i32_0 : i32, i32
  }
  func.func @transform_12(%arg0: i32) -> (i32, i32) {
    %c0_i32 = arith.constant 0 : i32
    %c0_i32_0 = arith.constant 0 : i32
    %c0_i32_1 = arith.constant 0 : i32
    return %c0_i32, %c0_i32_0 : i32, i32
  }
  func.func @transform_13(%arg0: i32) -> (i32, i32) {
    %c0_i32 = arith.constant 0 : i32
    %c0_i32_0 = arith.constant 0 : i32
    %c0_i32_1 = arith.constant 0 : i32
    return %c0_i32, %c0_i32_0 : i32, i32
  }
  func.func @transform_14(%arg0: i32) -> (i32, i32, i32) {
    %c0_i32 = arith.constant 0 : i32
    %c0_i32_0 = arith.constant 0 : i32
    %c0_i32_1 = arith.constant 0 : i32
    return %arg0, %c0_i32, %c0_i32_0 : i32, i32, i32
  }
  func.func @transform_15(%arg0: i32) -> (i32, i32, i32) {
    %c0_i32 = arith.constant 0 : i32
    %c0_i32_0 = arith.constant 0 : i32
    %c0_i32_1 = arith.constant 0 : i32
    return %arg0, %c0_i32, %c0_i32_0 : i32, i32, i32
  }
  func.func @transform_16(%arg0: i32) -> (i32, i32, i32) {
    %c0_i32 = arith.constant 0 : i32
    %c0_i32_0 = arith.constant 0 : i32
    %c0_i32_1 = arith.constant 0 : i32
    return %arg0, %c0_i32, %c0_i32_0 : i32, i32, i32
  }
  func.func @transform_17(%arg0: i32) -> (i32, i32, i32) {
    %c0_i32 = arith.constant 0 : i32
    %c0_i32_0 = arith.constant 0 : i32
    %c0_i32_1 = arith.constant 0 : i32
    return %arg0, %c0_i32, %c0_i32_0 : i32, i32, i32
  }
}

module attributes {stable_mosaic.version = 14 : i64} {
  func.func @_head_body(%arg0: memref<128x256xf32, #tpu.memory_space<vmem>>, %arg1: memref<256x512xf32, #tpu.memory_space<vmem>>, %arg2: memref<1x512xf32, #tpu.memory_space<vmem>>, %arg3: memref<1x512xf32, #tpu.memory_space<vmem>>, %arg4: memref<1x512xf32, #tpu.memory_space<vmem>>, %arg5: memref<512x1024xf32, #tpu.memory_space<vmem>>, %arg6: memref<1x1024xf32, #tpu.memory_space<vmem>>, %arg7: memref<1x1024xf32, #tpu.memory_space<vmem>>, %arg8: memref<1x1024xf32, #tpu.memory_space<vmem>>, %arg9: memref<1024x2xf32, #tpu.memory_space<vmem>>, %arg10: memref<1x2xf32, #tpu.memory_space<vmem>>, %arg11: memref<128x2xf32, #tpu.memory_space<vmem>>) attributes {dimension_semantics = [], scalar_prefetch = 0 : i64, scratch_operands = 0 : i64, tpu.core_type = #tpu.core_type<tc>} {
    %sqrt3A = arith.constant 1.000010e+00 : f32
    %sqrt3A_0 = math.sqrt %sqrt3A : f32
    %div3A = arith.constant 1.000000e+00 : f32
    %div3A_1 = arith.divf %div3A, %sqrt3A_0 : f32
    %get3A = arith.constant 0 : index
    %get3A_2 = arith.constant 0 : index
    %get3A_3 = vector.load %arg0[%get3A, %get3A_2] : memref<128x256xf32, #tpu.memory_space<vmem>>, vector<128x256xf32>
    %get3A_4 = arith.constant 0 : index
    %get3A_5 = arith.constant 0 : index
    %get3A_6 = vector.load %arg1[%get3A_4, %get3A_5] : memref<256x512xf32, #tpu.memory_space<vmem>>, vector<256x512xf32>
    %convert_element_type3A = arith.truncf %get3A_3 : vector<128x256xf32> to vector<128x256xbf16>
    %convert_element_type3A_7 = arith.truncf %get3A_6 : vector<256x512xf32> to vector<256x512xbf16>
    %dot_general3A = arith.constant dense<0.000000e+00> : vector<128x512xf32>
    %dot_general3A_8 = tpu.matmul %convert_element_type3A, %convert_element_type3A_7, %dot_general3A {dimension_numbers = #tpu.dot_dimension_numbers<[1], [0], [0], [1], [0, 0, 1, 1], [], []>, transpose_lhs_hint = false} : vector<128x256xbf16>, vector<256x512xbf16>, vector<128x512xf32> -> vector<128x512xf32>
    %get3A_9 = arith.constant 0 : index
    %get3A_10 = arith.constant 0 : index
    %get3A_11 = vector.load %arg2[%get3A_9, %get3A_10] : memref<1x512xf32, #tpu.memory_space<vmem>>, vector<1x512xf32>
    %add3A = vector.broadcast %get3A_11 : vector<1x512xf32> to vector<128x512xf32>
    %add3A_12 = arith.addf %dot_general3A_8, %add3A : vector<128x512xf32>
    %max3A = arith.constant 0.000000e+00 : f32
    %max3A_13 = vector.broadcast %max3A : f32 to vector<128x512xf32>
    %max3A_14 = arith.maximumf %add3A_12, %max3A_13 : vector<128x512xf32>
    %mul3A = vector.broadcast %div3A_1 : f32 to vector<128x512xf32>
    %mul3A_15 = arith.mulf %max3A_14, %mul3A : vector<128x512xf32>
    %get3A_16 = arith.constant 0 : index
    %get3A_17 = arith.constant 0 : index
    %get3A_18 = vector.load %arg3[%get3A_16, %get3A_17] : memref<1x512xf32, #tpu.memory_space<vmem>>, vector<1x512xf32>
    %mul3A_19 = vector.broadcast %get3A_18 : vector<1x512xf32> to vector<128x512xf32>
    %mul3A_20 = arith.mulf %mul3A_15, %mul3A_19 : vector<128x512xf32>
    %get3A_21 = arith.constant 0 : index
    %get3A_22 = arith.constant 0 : index
    %get3A_23 = vector.load %arg4[%get3A_21, %get3A_22] : memref<1x512xf32, #tpu.memory_space<vmem>>, vector<1x512xf32>
    %add3A_24 = vector.broadcast %get3A_23 : vector<1x512xf32> to vector<128x512xf32>
    %add3A_25 = arith.addf %mul3A_20, %add3A_24 : vector<128x512xf32>
    %get3A_26 = arith.constant 0 : index
    %get3A_27 = arith.constant 0 : index
    %get3A_28 = vector.load %arg5[%get3A_26, %get3A_27] : memref<512x1024xf32, #tpu.memory_space<vmem>>, vector<512x1024xf32>
    %convert_element_type3A_29 = arith.truncf %add3A_25 : vector<128x512xf32> to vector<128x512xbf16>
    %convert_element_type3A_30 = arith.truncf %get3A_28 : vector<512x1024xf32> to vector<512x1024xbf16>
    %dot_general3A_31 = arith.constant dense<0.000000e+00> : vector<128x1024xf32>
    %dot_general3A_32 = tpu.matmul %convert_element_type3A_29, %convert_element_type3A_30, %dot_general3A_31 {dimension_numbers = #tpu.dot_dimension_numbers<[1], [0], [0], [1], [0, 0, 1, 1], [], []>, transpose_lhs_hint = false} : vector<128x512xbf16>, vector<512x1024xbf16>, vector<128x1024xf32> -> vector<128x1024xf32>
    %get3A_33 = arith.constant 0 : index
    %get3A_34 = arith.constant 0 : index
    %get3A_35 = vector.load %arg6[%get3A_33, %get3A_34] : memref<1x1024xf32, #tpu.memory_space<vmem>>, vector<1x1024xf32>
    %add3A_36 = vector.broadcast %get3A_35 : vector<1x1024xf32> to vector<128x1024xf32>
    %add3A_37 = arith.addf %dot_general3A_32, %add3A_36 : vector<128x1024xf32>
    %max3A_38 = arith.constant 0.000000e+00 : f32
    %max3A_39 = vector.broadcast %max3A_38 : f32 to vector<128x1024xf32>
    %max3A_40 = arith.maximumf %add3A_37, %max3A_39 : vector<128x1024xf32>
    %mul3A_41 = vector.broadcast %div3A_1 : f32 to vector<128x1024xf32>
    %mul3A_42 = arith.mulf %max3A_40, %mul3A_41 : vector<128x1024xf32>
    %get3A_43 = arith.constant 0 : index
    %get3A_44 = arith.constant 0 : index
    %get3A_45 = vector.load %arg7[%get3A_43, %get3A_44] : memref<1x1024xf32, #tpu.memory_space<vmem>>, vector<1x1024xf32>
    %mul3A_46 = vector.broadcast %get3A_45 : vector<1x1024xf32> to vector<128x1024xf32>
    %mul3A_47 = arith.mulf %mul3A_42, %mul3A_46 : vector<128x1024xf32>
    %get3A_48 = arith.constant 0 : index
    %get3A_49 = arith.constant 0 : index
    %get3A_50 = vector.load %arg8[%get3A_48, %get3A_49] : memref<1x1024xf32, #tpu.memory_space<vmem>>, vector<1x1024xf32>
    %add3A_51 = vector.broadcast %get3A_50 : vector<1x1024xf32> to vector<128x1024xf32>
    %add3A_52 = arith.addf %mul3A_47, %add3A_51 : vector<128x1024xf32>
    %get3A_53 = arith.constant 0 : index
    %get3A_54 = arith.constant 0 : index
    %get3A_55 = vector.load %arg9[%get3A_53, %get3A_54] : memref<1024x2xf32, #tpu.memory_space<vmem>>, vector<1024x2xf32>
    %convert_element_type3A_56 = arith.truncf %add3A_52 : vector<128x1024xf32> to vector<128x1024xbf16>
    %convert_element_type3A_57 = arith.truncf %get3A_55 : vector<1024x2xf32> to vector<1024x2xbf16>
    %dot_general3A_58 = arith.constant dense<0.000000e+00> : vector<128x2xf32>
    %dot_general3A_59 = tpu.matmul %convert_element_type3A_56, %convert_element_type3A_57, %dot_general3A_58 {dimension_numbers = #tpu.dot_dimension_numbers<[1], [0], [0], [1], [0, 0, 1, 1], [], []>, transpose_lhs_hint = false} : vector<128x1024xbf16>, vector<1024x2xbf16>, vector<128x2xf32> -> vector<128x2xf32>
    %get3A_60 = arith.constant 0 : index
    %get3A_61 = arith.constant 0 : index
    %get3A_62 = vector.load %arg10[%get3A_60, %get3A_61] : memref<1x2xf32, #tpu.memory_space<vmem>>, vector<1x2xf32>
    %add3A_63 = vector.broadcast %get3A_62 : vector<1x2xf32> to vector<128x2xf32>
    %add3A_64 = arith.addf %dot_general3A_59, %add3A_63 : vector<128x2xf32>
    %reduce_max3A = arith.constant dense<0xFF800000> : vector<128xf32>
    %reduce_max3A_65 = vector.multi_reduction <maximumf>, %add3A_64, %reduce_max3A [1] : vector<128x2xf32> to vector<128xf32>
    %broadcast_in_dim3A = vector.shape_cast %reduce_max3A_65 : vector<128xf32> to vector<128x1xf32>
    %sub3A = vector.broadcast %broadcast_in_dim3A : vector<128x1xf32> to vector<128x2xf32>
    %sub3A_66 = arith.subf %add3A_64, %sub3A : vector<128x2xf32>
    %exp3A = math.exp %sub3A_66 : vector<128x2xf32>
    %reduce_sum3A = arith.constant dense<0.000000e+00> : vector<128xf32>
    %reduce_sum3A_67 = vector.multi_reduction <add>, %exp3A, %reduce_sum3A [1] : vector<128x2xf32> to vector<128xf32>
    %broadcast_in_dim3A_68 = vector.shape_cast %reduce_sum3A_67 : vector<128xf32> to vector<128x1xf32>
    %log3A = math.log %broadcast_in_dim3A_68 : vector<128x1xf32>
    %add3A_69 = arith.addf %log3A, %broadcast_in_dim3A : vector<128x1xf32>
    %sub3A_70 = vector.broadcast %add3A_69 : vector<128x1xf32> to vector<128x2xf32>
    %sub3A_71 = arith.subf %add3A_64, %sub3A_70 : vector<128x2xf32>
    %swap3A = arith.constant 0 : index
    %swap3A_72 = arith.constant 0 : index
    %swap3A_73 = vector.load %arg11[%swap3A, %swap3A_72] : memref<128x2xf32, #tpu.memory_space<vmem>>, vector<128x2xf32>
    tpu.vector_store %arg11[%swap3A, %swap3A_72], %sub3A_71 {strides = array<i32>} : memref<128x2xf32, #tpu.memory_space<vmem>>, vector<128x2xf32>,
    return
  }
}

</mosaic_0001>

<sc_bundles>
// kernel: kernel.6.cloned.1.call-start
scs
__scs_entry_jumppad:
0x0: {  	(pc) =	sbr.rel $0x88, $3  }
0x1: {  	(tag) =	ssettag $0x0;
	lr =	simm.s32 $0x1  }
0x2: {  	[smem:$0x3F89] =	sst lr;
	_ =	strace $0xD0000000  }
0x3: {  	_ = 	snop  }
0x4: {  	_ = 	snop  }
0x5: {  	_ = 	snop  }
0x6: {  	_ = 	snop  }
0x7: {  	_ = 	snop  }
__scs_overlays_trampoline_lowered:
0x8: {  	[smem:$0x3F98] =	sst s0  }
0x9: {  	[smem:$0x3F99] =	sst s1  }
0xa: {  	[smem:$0x3F9A] =	sst s2  }
0xb: {  	[smem:$0x3F9B] =	sst s3  }
0xc: {  	[smem:$0x3F9C] =	sst s4  }
0xd: {  	[smem:$0x3F9D] =	sst s5  }
0xe: {  	[smem:$0x3F9E] =	sst s6  }
0xf: {  	[smem:$0x3F9F] =	sst s7  }
0x10: {  	[smem:$0x3FA0] =	sst s8  }
0x11: {  	[smem:$0x3FA1] =	sst s9;
	s0 =	simm.s32 @!p0 $0x0  }
0x12: {  	s1 =	sld [smem:$0x3F87];
	s0 =	simm.s32 @p0 $0x1  }
0x13: {  	[smem:$0x3FA2] =	sst s0;
	s0 =	simm.s32 @!p1 $0x0  }
0x14: {  	s2 =	sld [smem:$0x3F86];
	s0 =	simm.s32 @p1 $0x1  }
0x15: {  	[smem:$0x3FA3] =	sst s0;
	s0 =	simm.s32 @!p2 $0x0  }
0x16: {  	s3 =	sld [smem:$0x3FDB];
	s0 =	simm.s32 @p2 $0x1  }
0x17: {  	s4 =	simm.s32 $0x1BF5;
	[smem:$0x3FA5] =	sst s0  }
0x18: {  	s0 =	sld [smem:$0x3F88];
	_ =	swait.ge [sflag:s4], $0x0  }
0x19: {  	s7 =	sld [smem:$0x3F89]  }
0x1a: {  	s8 =	sadd.s32 $0xFFFFE003, lr  }
0x1b: {  	s9 =	sadd.s32 $0xFFFFFEF7, lr;
	s5 =	simm.s32 $0xFFFFFFFF;
	p2 =	slt.u32 s8, $0xFFFFF086  }
0x1c: {  	p1 =	slt.u32 s9, $0xF7A;
	s5 =	simm.s32 @!p2 $0x0  }
0x1d: {  	s5 =	simm.s32 @p1 $0x1;
	p0 =	seq.s32 s7, s2  }
0x1e: {  	s7 =	smul.u32 @!p0 $0xF7A, s2;
	p2 =	seq.s32 @!p0 s5, $0x0  }
0x1f: {  	s9 =	smul.u32 $0xF7A, s1;
	s8 =	simm.s32 @!p0 $0x1BF5;
	p2 =	por !p2, p0  }
0x20: {  	[sflag:s8] =	ssyncset.s32 @!p0 $0xFFFFF086;
	s6 =	sadd.s32 @!p0 s3, s7;
	s7 =	simm.s32 @!p0 $0x108  }
0x21: {  	s3 =	sadd.s32 s3, s9;
	s6 =	sadd.s32 @!p0 $0x88, s6;
	s7 =	simm.s32 @p2 $0x1082  }
0x22: {  	[simem:s7], [sflag:s8] =	dma.local @!p0 [hbm:s6], $0xF7A  }
0x23: {  	s9 =	sor.u32 $0xD0000000, s2;
	s6 =	simm.s32 $0x108;
	_ =	swait.ge @!p0 [sflag:s8], $0x0  }
0x24: {  	s3 =	sadd.s32 $0x88, s3;
	s6 =	simm.s32 @!p1 $0x1082;
	[sflag:s4] =	ssyncset.s32 $0xFFFFF086  }
0x25: {  	[simem:s6], [sflag:s4] =	dma.local [hbm:s3], $0xF7A  }
0x26: {  	[smem:$0x3F89] =	sst s1;
	(tag) =	ssettag s2;
	_ =	strace s9  }
0x27: {  	s1 =	sld [smem:$0x3F99]  }
0x28: {  	s2 =	sld [smem:$0x3F9A]  }
0x29: {  	s4 =	sld [smem:$0x3F9C]  }
0x2a: {  	p0 =	seq.s32 s5, $0x0;
	s5 =	sld [smem:$0x3F9D]  }
0x2b: {  	s6 =	sld [smem:$0x3F9E]  }
0x2c: {  	s7 =	sld [smem:$0x3F9F]  }
0x2d: {  	s3 =	simm.s32 $0x108;
	s8 =	sld [smem:$0x3FA0]  }
0x2e: {  	s3 =	simm.s32 @!p0 $0x1082;
	s9 =	sld [smem:$0x3FA1]  }
0x2f: {  	lr =	sadd.s32 s0, s3;
	s0 =	sld [smem:$0x3F98]  }
0x30: {  	s3 =	sld [smem:$0x3F9B]  }
0x31: {  	[smem:$0x3FA4] =	sst s10  }
0x32: {  	s10 =	sld [smem:$0x3FA2];
	_ =	sdelay $0x3  }
0x33: {  	p0 =	seq.s32 s10, $0x1;
	s10 =	sld [smem:$0x3FA4];
	_ =	sdelay $0x3  }
0x34: {  	[smem:$0x3FA4] =	sst s10  }
0x35: {  	s10 =	sld [smem:$0x3FA3];
	_ =	sdelay $0x3  }
0x36: {  	p1 =	seq.s32 s10, $0x1;
	s10 =	sld [smem:$0x3FA4];
	_ =	sdelay $0x3  }
0x37: {  	[smem:$0x3FA4] =	sst s10  }
0x38: {  	s10 =	sld [smem:$0x3FA5]  }
0x39: {  	_ = 	snop;
	(pc) =	sbr.ind lr, $3  }
0x3a: {  	_ = 	snop  }
0x3b: {  	_ = 	snop  }
0x3c: {  	p2 =	seq.s32 s10, $0x1;
	s10 =	sld [smem:$0x3FA4]  }
0x3d: {  	_ =	shalt  }
0x3e: {  	_ =	shalt  }
0x3f: {  	_ =	shalt  }
0x40: {  	_ =	shalt  }
0x41: {  	_ =	shalt  }
0x42: {  	_ =	shalt  }
0x43: {  	_ =	shalt  }
0x44: {  	_ =	shalt  }
0x45: {  	_ =	shalt  }
0x46: {  	_ =	shalt  }
0x47: {  	_ =	shalt  }
0x48: {  	_ =	shalt  }
0x49: {  	_ =	shalt  }
0x4a: {  	_ =	shalt  }
0x4b: {  	_ =	shalt  }
0x4c: {  	_ =	shalt  }
0x4d: {  	_ =	shalt  }
0x4e: {  	_ =	shalt  }
0x4f: {  	_ =	shalt  }
0x50: {  	_ =	shalt  }
0x51: {  	_ =	shalt  }
0x52: {  	_ =	shalt  }
0x53: {  	_ =	shalt  }
0x54: {  	_ =	shalt  }
0x55: {  	_ =	shalt  }
0x56: {  	_ =	shalt  }
0x57: {  	_ =	shalt  }
0x58: {  	_ =	shalt  }
0x59: {  	_ =	shalt  }
0x5a: {  	_ =	shalt  }
0x5b: {  	_ =	shalt  }
0x5c: {  	_ =	shalt  }
0x5d: {  	_ =	shalt  }
0x5e: {  	_ =	shalt  }
0x5f: {  	_ =	shalt  }
0x60: {  	_ =	shalt  }
0x61: {  	_ =	shalt  }
0x62: {  	_ =	shalt  }
0x63: {  	_ =	shalt  }
0x64: {  	_ =	shalt  }
0x65: {  	_ =	shalt  }
0x66: {  	_ =	shalt  }
0x67: {  	_ =	shalt  }
0x68: {  	_ =	shalt  }
0x69: {  	_ =	shalt  }
0x6a: {  	_ =	shalt  }
0x6b: {  	_ =	shalt  }
0x6c: {  	_ =	shalt  }
0x6d: {  	_ =	shalt  }
0x6e: {  	_ =	shalt  }
0x6f: {  	_ =	shalt  }
0x70: {  	_ =	shalt  }
0x71: {  	_ =	shalt  }
0x72: {  	_ =	shalt  }
0x73: {  	_ =	shalt  }
0x74: {  	_ =	shalt  }
0x75: {  	_ =	shalt  }
0x76: {  	_ =	shalt  }
0x77: {  	_ =	shalt  }
0x78: {  	_ =	shalt  }
0x79: {  	_ =	shalt  }
0x7a: {  	_ =	shalt  }
0x7b: {  	_ =	shalt  }
0x7c: {  	_ =	shalt  }
0x7d: {  	_ =	shalt  }
0x7e: {  	_ =	shalt  }
0x7f: {  	_ =	shalt  }
0x80: {  	_ =	shalt  }
0x81: {  	_ =	shalt  }
0x82: {  	_ =	shalt  }
0x83: {  	_ =	shalt  }
0x84: {  	_ =	shalt  }
0x85: {  	_ =	shalt  }
0x86: {  	_ =	shalt  }
0x87: {  	_ =	shalt  }
.Lfunc_end0:
.L_simem_size_0:
called_computation_lowered:
.L_overlay_start_0:
0x88: {  	s2 =	sld [smem:$0x3FD9]  }
0x89: {  	s3 =	sld [smem:$0x3FFE];
	_ =	sdelay $0x1  }
0x8a: {  	s1 =	srdreg.scid  }
0x8b: {  	s0 =	sand.u32 $0x1, s1  }
0x8c: {  	s14 =	sshll.u32 s0, $0xA;
	s2 =	sadd.s32 s3, s2  }
0x8d: {  	s2 =	sadd.s32 s2, s14  }
0x8e: {  	[smem:$0x3FB0] =	sst s2  }
0x8f: {  	_ = 	snop  }
0x90: {  	s2 =	sld [smem:$0x3FD0];
	_ =	sdelay $0x2  }
0x91: {  	s15 =	simm.s32 $0xA;
	s4 =	simm.s32 $0x10  }
0x92: {  	[smem:s4], [sflag:s15] =	dma.local [hbm:s2], $0x1  }
0x93: {  	_ =	swait.eq [sflag:s15], $0x1  }
0x94: {  	[sflag:s15] =	ssyncset.done $0x0  }
0x95: {  	[sflag:s15] =	ssyncadd.s32 $0xFFFFFFFF  }
0x96: {  	s16 =	sld [smem:$0x13];
	(tm) =	ssettm $0x1  }
0x97: {  	s17 =	sld [smem:$0x3FFB];
	_ =	sdelay $0x3  }
0x98: {  	_ =	strace s17  }
0x99: {  	s3 =	sld [smem:$0x3FFC];
	_ =	sdelay $0x3  }
0x9a: {  	_ =	strace s3  }
0x9b: {  	s3 =	sld [smem:$0x3FFD];
	_ =	sdelay $0x3  }
0x9c: {  	_ =	strace s3  }
0x9d: {  	_ =	strace $0x8FFFFFFF  }
0x9e: {  	s18 =	sld [smem:$0x3FDB];
	_ =	sdelay $0x1  }
0x9f: {  	s19 =	simm.s32 $_scs_section_size  }
0xa0: {  	s5 =	simm.s32 $_size__tile_overlayer_lowered;
	s6 =	simm.s32 $_tile_overlayer_lowered  }
0xa1: {  	s22 =	simm.s32 $0x1BFF;
	s21 =	sshll.u32 s6, $0x1;
	s3 =	sadd.s32 s19, s18  }
0xa2: {  	s7 =	simm.s32 $0x0;
	s20 =	sshll.u32 s5, $0x1;
	s5 =	sadd.s32 s21, s3  }
0xa3: {  	[timem:s7], [sflag:s22] =	dma.local [hbm:s5], s20  }
0xa4: {  	_ =	swait.ge [sflag:s22], s20  }
0xa5: {  	s4 =	ssub.s32 $0x0, s20;
	[sflag:s22] =	ssyncset.done $0x0  }
0xa6: {  	[sflag:s22] =	ssyncadd.s32 s4;
	_ =	sdelay $0x1  }
0xa7: {  	s23 =	simm.s32 $0x1B8B  }
0xa8: {  	_ =	swait.ge [sflag:s23], $0x1  }
0xa9: {  	[sflag:s23] =	ssyncset.done $0x0  }
0xaa: {  	s25 =	simm.s32 $0x1B8E;
	s24 =	sld [smem:$0x3FFE];
	[sflag:s23] =	ssyncadd.s32 $0xFFFFFFFF  }
0xab: {  	s26 =	simm.s32 $execute0_lowered;
	[smem:$0x3FD2] =	sst s25  }
0xac: {  	s5 =	sshll.u32 s26, $0x1;
	_ =	strace $0x80000046;
	[dreg:$0x1] =	wrdreg $0xFFFFFFFF  }
0xad: {  	s28 =	simm.s32 $_size_execute0_lowered;
	s3 =	sadd.s32 s3, s5;
	[dreg:$0x0] =	wrdreg $0x0  }
0xae: {  	s5 =	sshll.u32 s28, $0x1;
	[dreg:$0x2] =	wrdreg s3  }
0xaf: {  	[dreg:$0x3] =	wrdreg s5  }
0xb0: {  	[dreg:$0x4] =	wrdreg $0xC0  }
0xb1: {  	_ =	task [dreg:s7], $0x5FFFF  }
0xb2: {  	[dreg:$0x1] =	wrdreg $0xFFFFFFFF  }
0xb3: {  	[dreg:$0x0] =	wrdreg $0x60  }
0xb4: {  	[dreg:$0x2] =	wrdreg s24  }
0xb5: {  	[dreg:$0x3] =	wrdreg s16  }
0xb6: {  	[dreg:$0x4] =	wrdreg $0x9  }
0xb7: {  	_ =	task.clear_ibuf [dreg:s7], $0x5FFFF;
	_ =	strace $0x90000046  }
0xb8: {  	s29 =	simm.s32 $0x9;
	_ =	strace $0x80000048  }
0xb9: {  	_ =	swait.ge [sflag:s29], $0x1  }
0xba: {  	[sflag:s29] =	ssyncadd.s32 $0xFFFFFFFF  }
0xbb: {  	_ =	strace $0x90000048  }
0xbc: {  	_ =	sfence  }
0xbd: {  	s30 =	sld [smem:$0x0];
	_ =	sdelay $0x2  }
0xbe: {  	s31 =	sshll.u32 s1, $0xD;
	s1 =	sshrl.u32 s1, $0x2  }
0xbf: {  	s3 =	sand.u32 $0x4000, s31;
	s1 =	sadd.s32 s1, s30  }
0xc0: {  	s0 =	sor.u32 s3, s0;
	s1 =	sshll.u32 s1, $0x11  }
0xc1: {  	s0 =	sor.u32 s1, s0  }
0xc2: {  	s0 =	sadd.s32 $0x8F2B, s0  }
0xc3: {  	[sflag:s0] =	ssyncadd.remote.s32 $0x1  }
0xc4: {  	_ =	sfence.sel $0xFFFF  }
0xc5: {  	[dreg:$0x0] =	wrdreg $0xFFFFFFFF;
	(pc) =	sbr.abs _section_cstart, $3  }
0xc6: {  	[dreg:$0x1] =	wrdreg $0xFFFFFFFF  }
0xc7: {  	_ =	task.clear_ibuf [dreg:s7], $0x2FFFF;
	_ =	strace $0x9FFFFFFF  }
0xc8: {  	(tm) =	ssettm $0x7FFFFFFF  }
0xc9: {  	_ =	shalt  }
tec
execute0_lowered:
.L_overlay_start_1:
0x0: {  	(tag) =	ssettag $0x1  }
0x1: {  	s3 =	rddreg [dreg:$0x0]  }
0x2: {  	s1 =	rddreg [dreg:$0x1]  }
0x3: {  	s0 =	rddreg [dreg:$0x2];
	s2 =	simm.s32 $0x0  }
0x4: {  	s5 =	srdreg.scid;
	s10 =	simm.s32 $0x1000;
	s11 =	simm.s32 $0x2000  }
0x5: {  	s12 =	simm.s32 $0x80;
	s13 =	simm.s32 $0x400;
	s18 =	simm.s32 $0x0  }
0x6: {  	[smem:$0x7FF] =	sst s2;
	s4 =	sadd.s32 $0x3800, s3;
	s6 =	sand.u32 $0x1, s5  }
0x7: {  	s5 =	sadd.s32 $0x13200, s3;
	s3 =	stileid.u32;
	s7 =	ssub.s32 $0x2, s6  }
0x8: {  	s9 =	sshll.u32 s3, $0x3;
	s6 =	sshll.u32 s6, $0x2;
	s8 =	sshrl.u32 s7, $0x1  }
0x9: {  	_ =	strace $0x80000047;
	s6 =	sor.u32 s6, s9;
	s8 =	ssub.s32 s7, s8  }
0xa: {  	v0 =	vimm.f32 $0.0e+00;
	v1 =	vimm.f32 $1.000000000e+00;
	s9 =	simm.s32 $0x1;
	s7 =	smul.u32 $0x4E400, s3;
	s8 =	smax.u32 s8, $0x1  }
.LBB2_1:
0xb: {  	s14 =	simm.s32 $0x0  }
.LBB2_2:
0xc: {  	s15 =	sadd.s32 s6, s14  }
0xd: {  	s16 =	smul.u32 $0x1F4, s15;
	_ =	sdelay $0x1  }
0xe: {  	s17 =	sadd.s32 s4, s16  }
0xf: {  	[tilespmem:s18], [sflag:$0x1] =	stream.linear.gather [hbm4b:s17+s18], $0xFA0, $0x38;
	[tilespmem:$0xBC80] =	vst v63  }
0x10: {  	_ =	swait.ge [sflag:s9], $0xFA0  }
0x11: {  	[sflag:s9] =	ssyncset.done $0x0  }
0x12: {  	s16 =	sadd.s32 s1, s16;
	[sflag:s9] =	ssyncadd.s32 $0xFFFFF060  }
0x13: {  	[tilespmem:s10], [sflag:$0x1] =	stream.linear.gather [hbm4b:s16+s18], $0xFA0, $0x38;
	[tilespmem:$0xBC80] =	vst v63  }
0x14: {  	_ =	swait.ge [sflag:s9], $0xFA0  }
0x15: {  	[sflag:s9] =	ssyncset.done $0x0  }
0x16: {  	s17 =	simm.s32 $0x0;
	s16 =	simm.s32 $0x40;
	[sflag:s9] =	ssyncadd.s32 $0xFFFFF060  }
.LBB2_3:
0x17: {  	p0 =	sne.s32 s16, $0x270C0;
	[tilespmem:s17+$0x2000] =	vst v0;
	s17 =	smov.u32 s16;
	s16 =	sadd.s32 $0x40, s16  }
.Ltmp0:
0x18: {  	(pc) =	sbr.rel @p0 .LBB2_3-.Ltmp0, $2  }
0x19: {  	_ =	sdelay $0x2  }
0x1a: {  	s17 =	sshra.s32 s17, $0x2  }
0x1b: {  	s16 =	smul.u32 $0xC8, s15;
	_ =	sdelay $0x1  }
0x1c: {  	[tilespmem:s17+$0x2000] =	vst v0;
	s17 =	simm.s32 $0x0;
	v2 =	vmov s16;
	s16 =	simm.s32 $0x40  }
.LBB2_5:
0x1d: {  	p0 =	sne.s32 s16, $0x3E40;
	v3 =	vld [tilespmem:s17+$0x1000];
	_ =	sdelay $0x1  }
0x1e: {  	v4 =	vld [tilespmem:s17+$0x0];
	_ =	sdelay $0x2  }
0x1f: {  	v3 =	vsub.s32 v3, v2  }
0x20: {  	v3 =	vmul.u32 $0xC8, v3  }
0x21: {  	v4 =	vsub.s32 v4, v2  }
0x22: {  	v3 =	vadd.s32 v3, v4  }
.Ltmp1:
0x23: {  	(pc) =	sbr.rel @p0 .LBB2_5-.Ltmp1, $2  }
0x24: {  	_ =	sdelay $0x2  }
0x25: {  	s17 =	sshra.s32 s16, $0x2;
	s16 =	sadd.s32 $0x40, s16;
	[tilespmem:v3+s11+$0x0] =	vst.idx.add.f32.msk $0xffff, v1  }
0x26: {  	v3 =	vld [tilespmem:s17+$0x1000];
	_ =	sdelay $0x1  }
0x27: {  	v4 =	vld [tilespmem:s17+$0x0];
	_ =	sdelay $0x2  }
0x28: {  	v3 =	vsub.s32 v3, v2  }
0x29: {  	v3 =	vmul.u32 $0xC8, v3  }
0x2a: {  	v2 =	vsub.s32 v4, v2  }
0x2b: {  	v2 =	vadd.s32 v3, v2  }
0x2c: {  	s15 =	sshll.u32 s15, $0x7  }
0x2d: {  	s15 =	sand.u32 $0x380, s15  }
0x2e: {  	s14 =	sadd.s32 $0x1, s14;
	s15 =	sor.u32 s7, s15  }
0x2f: {  	p0 =	sne.s32 s14, $0x4;
	s15 =	sshrl.u32 s15, $0x3  }
.Ltmp2:
0x30: {  	s15 =	sadd.s32 s5, s15;
	[tilespmem:v2+s11+$0x0] =	vst.idx.add.f32.msk $0xffff, v1;
	(pc) =	sbr.rel @p0 .LBB2_2-.Ltmp2, $4  }
0x31: {  	[hbm4b:s15+s12] =	stream.strided.scatter [tilespmem:s11], [sflag:$0x1], $0x9C80, s13, s12, $0x38;
	[tilespmem:$0xBC80] =	vst v63  }
0x32: {  	_ =	swait.ge [sflag:s9], $0x9C80  }
0x33: {  	[sflag:s9] =	ssyncset.done $0x0  }
0x34: {  	[sflag:s9] =	ssyncadd.s32 $0xFFFF6380  }
0x35: {  	s2 =	sadd.s32 $0x1, s2  }
0x36: {  	p0 =	sne.s32 s2, s8  }
.Ltmp3:
0x37: {  	_ = 	snop;
	(pc) =	sbr.rel @p0 .LBB2_1-.Ltmp3, $1  }
0x38: {  	_ =	sdelay $0x3  }
0x39: {  	_ =	sfence.sel $0x180000  }
0x3a: {  	[bflag:$0x0] =	sbarrier.arrive $0xFFFF  }
0x3b: {  	p0 =	sne.s32 s3, $0x0;
	_ =	strace $0x90000047  }
0x3c: {  	s0 =	sadd.s32 @!p0 $0x100000, s0;
	[bflag:$0x2] =	sbarrier.arrive $0xFFFF  }
0x3d: {  	[sflag:s0] =	ssyncadd.tile.s32 @!p0 $0x1;
	_ =	shalt  }
.Lfunc_end2:
_tile_overlayer_lowered:
.L_overlay_start_2:
0x3e: {  	(tag) =	ssettag $0x2  }
0x3f: {  	s0 =	rddreg [dreg:$0x0];
	s2 =	stileid.u32  }
0x40: {  	s1 =	rddreg [dreg:$0x1];
	p0 =	sne.s32 s2, $0x0  }
0x41: {  	s3 =	rddreg [dreg:$0x2];
	[bflag:$0x3] =	sbarrier.arrive $0xFFFF;
	s2 =	simm.s32 @!p0 $0x1C01  }
0x42: {  	[timem:s3], [sflag:s2] =	dma.local @!p0 [hbm:s0], s1  }
0x43: {  	s0 =	simm.s32 @!p0 $0x1  }
0x44: {  	_ =	swait.ge @!p0 [sflag:s0], s1  }
0x45: {  	s1 =	ssub.s32 @!p0 $0x0, s1;
	[sflag:s0] =	ssyncset.done @!p0 $0x0  }
0x46: {  	[sflag:s0] =	ssyncadd.s32 @!p0 s1  }
0x47: {  	[bflag:$0x3] =	sbarrier.arrive $0xFFFF  }
0x48: {  	_ =	shalt  }

</sc_bundles>
